<compile_context>
chip_gen: v7x
topology: tpu7x:2x2x1
jax: 0.10.2.dev20260603
libtpu: 0.0.44.dev20260713+nightly
codegen_flags: <defaults>
</compile_context>

<pallas_src>
import jax
import jax.numpy as jnp
from jax import lax
from jax.experimental import pallas as pl
from jax.experimental.pallas import tpu as pltpu
from jax.experimental.pallas import tpu_sc as plsc

_T = 512
_TG = 512
_NW = 32


def _gate_body(x_ref, wg_ref, bg_ref, s_ref):
    s_ref[...] = jnp.dot(x_ref[...], wg_ref[...],
                         preferred_element_type=jnp.float32) + bg_ref[...]


def _gate(xf, Wg, bg):
    N, D = xf.shape
    E = Wg.shape[1]
    NB = N // _TG
    wg_pad = jnp.zeros((D, 128), Wg.dtype).at[:, :E].set(Wg)
    bg_pad = jnp.zeros((1, 128), jnp.float32).at[0, :E].set(bg)
    return pl.pallas_call(
        _gate_body,
        grid=(NB,),
        in_specs=[
            pl.BlockSpec((_TG, D), lambda i: (i, 0)),
            pl.BlockSpec((D, 128), lambda i: (0, 0)),
            pl.BlockSpec((1, 128), lambda i: (0, 0)),
        ],
        out_specs=pl.BlockSpec((_TG, 128), lambda i: (i, 0)),
        out_shape=jax.ShapeDtypeStruct((N, 128), jnp.float32),
    )(xf, wg_pad, bg_pad)


def _ffn_body(pref_ref, xs_ref, w1_ref, b1_ref, w2_ref, b2_ref, y_ref):
    @pl.when(pref_ref[1, pl.program_id(0)] == 1)
    def _():
        xv = xs_ref[...].astype(jnp.bfloat16)
        h = jnp.dot(xv, w1_ref[0].astype(jnp.bfloat16),
                    preferred_element_type=jnp.float32)
        h = jnp.maximum(h + b1_ref[0, 0], 0.0)
        y = jnp.dot(h.astype(jnp.bfloat16), w2_ref[0].astype(jnp.bfloat16),
                    preferred_element_type=jnp.float32)
        y_ref[...] = y + b2_ref[0, 0]


def _ffn(xs, pref, W1, b1, W2, b2):
    NPAD, D = xs.shape
    E, _, H = W1.shape
    NT = NPAD // _T
    grid_spec = pltpu.PrefetchScalarGridSpec(
        num_scalar_prefetch=1,
        grid=(NT,),
        in_specs=[
            pl.BlockSpec((_T, D), lambda i, p: (i, 0)),
            pl.BlockSpec((1, D, H), lambda i, p: (p[0, i], 0, 0)),
            pl.BlockSpec((1, 1, H), lambda i, p: (p[0, i], 0, 0)),
            pl.BlockSpec((1, H, D), lambda i, p: (p[0, i], 0, 0)),
            pl.BlockSpec((1, 1, D), lambda i, p: (p[0, i], 0, 0)),
        ],
        out_specs=pl.BlockSpec((_T, D), lambda i, p: (i, 0)),
    )
    return pl.pallas_call(
        _ffn_body,
        grid_spec=grid_spec,
        out_shape=jax.ShapeDtypeStruct((NPAD, D), jnp.float32),
    )(pref, xs, W1, b1.reshape(E, 1, H), W2, b2.reshape(E, 1, D))


def _sc_mesh():
    return plsc.VectorSubcoreMesh(core_axis_name="c", subcore_axis_name="s")


def _sc_gather(table, idx):
    V, D = table.shape
    B = idx.shape[0]
    bpw = B // _NW
    nch = 4
    ch = bpw // nch

    def body(tab_hbm, idx_hbm, out_hbm, idx_v, b0, b1, gsem, osem):
        wid = lax.axis_index("s") * 2 + lax.axis_index("c")
        base = wid * bpw
        pltpu.sync_copy(idx_hbm.at[pl.ds(base, bpw)], idx_v)
        bufs = (b0, b1)
        g = [None] * nch
        o = [None] * nch
        g[0] = pltpu.async_copy(tab_hbm.at[idx_v.at[pl.ds(0, ch)]], bufs[0],
                                gsem.at[0])
        for c in range(nch):
            b = c % 2
            g[c].wait()
            if c >= 1:
                o[c - 1].wait()
            o[c] = pltpu.async_copy(bufs[b], out_hbm.at[pl.ds(base + c * ch, ch)],
                                    osem.at[b])
            if c + 1 < nch:
                g[c + 1] = pltpu.async_copy(
                    tab_hbm.at[idx_v.at[pl.ds((c + 1) * ch, ch)]],
                    bufs[1 - b], gsem.at[1 - b])
        o[nch - 1].wait()

    return pl.kernel(
        body,
        out_type=jax.ShapeDtypeStruct((B, D), table.dtype),
        mesh=_sc_mesh(),
        scratch_types=[
            pltpu.VMEM((bpw,), jnp.int32),
            pltpu.VMEM((ch, D), table.dtype),
            pltpu.VMEM((ch, D), table.dtype),
            pltpu.SemaphoreType.DMA((2,)),
            pltpu.SemaphoreType.DMA((2,)),
        ],
    )(table, idx)


def _sc_scatter(rows, idx, V):
    B, D = rows.shape
    bpw = B // _NW
    nch = 4
    ch = bpw // nch
    idx2 = idx.reshape(_NW * nch, ch)

    def body(rows_hbm, idx_hbm, out_hbm, idx_v, b0, b1, rsem, wsem):
        wid = lax.axis_index("s") * 2 + lax.axis_index("c")
        base = wid * bpw
        pltpu.sync_copy(idx_hbm.at[pl.ds(wid * nch, nch)], idx_v)
        bufs = (b0, b1)
        r = [None] * nch
        w = [None] * nch
        r[0] = pltpu.async_copy(rows_hbm.at[pl.ds(base, ch)], bufs[0],
                                rsem.at[0])
        for c in range(nch):
            b = c % 2
            r[c].wait()
            if c >= 1:
                w[c - 1].wait()
            w[c] = pltpu.async_copy(bufs[b], out_hbm.at[idx_v.at[c]],
                                    wsem.at[b])
            if c + 1 < nch:
                r[c + 1] = pltpu.async_copy(
                    rows_hbm.at[pl.ds(base + (c + 1) * ch, ch)],
                    bufs[1 - b], rsem.at[1 - b])
        w[nch - 1].wait()

    return pl.kernel(
        body,
        out_type=jax.ShapeDtypeStruct((V, D), rows.dtype),
        mesh=_sc_mesh(),
        scratch_types=[
            pltpu.VMEM((nch, ch), jnp.int32),
            pltpu.VMEM((ch, D), rows.dtype),
            pltpu.VMEM((ch, D), rows.dtype),
            pltpu.SemaphoreType.DMA((2,)),
            pltpu.SemaphoreType.DMA((2,)),
        ],
    )(rows, idx2)


def kernel(x, Wg, bg, W1, b1, W2, b2):
    B, S, D = x.shape
    E = Wg.shape[1]
    N = B * S
    NT = N // _T + E
    NPAD = NT * _T

    xf = x.reshape(N, D)
    scores = _gate(xf, Wg, bg)
    s8 = scores[:, :E]
    eid = jnp.argmax(s8, axis=1).astype(jnp.int32)
    oh = (eid[:, None] == jnp.arange(E, dtype=jnp.int32)[None, :]).astype(
        jnp.int32)
    cc = jnp.cumsum(oh, axis=0)
    counts = cc[-1]
    grank = jnp.take_along_axis(cc, eid[:, None], axis=1)[:, 0] - 1

    tiles_per_e = (counts + _T - 1) // _T
    tile_bound = jnp.cumsum(tiles_per_e).astype(jnp.int32)
    pad_off = jnp.concatenate([jnp.zeros((1,), jnp.int32),
                               tile_bound[:-1]]) * _T
    pos = pad_off[eid] + grank
    t_idx = jnp.arange(NT, dtype=jnp.int32)
    tile_eid = jnp.sum((t_idx[:, None] >= tile_bound[None, :]).astype(
        jnp.int32), axis=1)
    valid = (tile_eid < E).astype(jnp.int32)
    pref = jnp.stack([jnp.minimum(tile_eid, E - 1), valid])

    xs = _sc_scatter(xf, pos, NPAD)
    ys = _ffn(xs, pref, W1, b1, W2, b2)
    out = _sc_gather(ys, pos)
    return (out.reshape(B, S, D), s8.reshape(B, S, E))

# --- scband reference (transcript-rebuilt; emitter-appended) ---
"""Pipeline reference for scband-sparse-mo-e-9929964388838 (READ-ONLY COPY).

The authoritative reference and input builder live on the scoring server;
editing this copy changes nothing except your own understanding.
"""

import jax, jax.numpy as jnp
import numpy as np

B = 4
S = 2048
EMBED = 768
NUM_EXPERTS = 8
HIDDEN = 768
TOP_K = 1


def setup_inputs(seed: int = 0) -> dict:
    key = jax.random.key(seed)
    ks = jax.random.split(key, 6)
    x = jax.random.normal(ks[0], (B, S, EMBED), dtype=jnp.float32)
    Wg = jax.random.normal(ks[1], (EMBED, NUM_EXPERTS), dtype=jnp.float32) * 0.02
    bg = jnp.zeros((NUM_EXPERTS,), dtype=jnp.float32)
    W1 = jax.random.normal(ks[2], (NUM_EXPERTS, EMBED, HIDDEN), dtype=jnp.float32) * 0.02
    b1 = jnp.zeros((NUM_EXPERTS, HIDDEN), dtype=jnp.float32)
    W2 = jax.random.normal(ks[3], (NUM_EXPERTS, HIDDEN, EMBED), dtype=jnp.float32) * 0.02
    b2 = jnp.zeros((NUM_EXPERTS, EMBED), dtype=jnp.float32)
    return {"x": x, "Wg": Wg, "bg": bg, "W1": W1, "b1": b1, "W2": W2, "b2": b2}


def reference(x, Wg, bg, W1, b1, W2, b2):
    # gate
    gating_scores = jnp.einsum('bsd,de->bse', x, Wg) + bg  # (B, S, E)
    gating_probs = jax.nn.softmax(gating_scores, axis=2)
    # top-k expert selection (probs unused for weighting, faithful to torch code)
    top_k_probs, top_k_indices = jax.lax.top_k(gating_probs, TOP_K)  # (B, S, K)
    output = jnp.zeros_like(x)
    for expert_idx in range(NUM_EXPERTS):
        expert_mask = (top_k_indices == expert_idx).astype(x.dtype)[..., None]  # (B, S, K, 1)
        h = jax.nn.relu(jnp.einsum('bsd,dh->bsh', x, W1[expert_idx]) + b1[expert_idx])
        expert_output = jnp.einsum('bsh,hd->bsd', h, W2[expert_idx]) + b2[expert_idx]
        expert_output = expert_output[:, :, None, :]  # (B, S, 1, D)
        expert_contribution = expert_output * expert_mask  # (B, S, K, D)
        output = output + expert_contribution.sum(axis=2)
    return (output, gating_scores)

if __name__ == "__main__":
    import jax
    _d = setup_inputs()
    print(jax.jit(kernel)(*tuple(_d.values())))

</pallas_src>

<mosaic_0001>
#map = affine_map<(d0, d1) -> (0, 0)>
#map1 = affine_map<(d0, d1) -> (0)>
module attributes {stable_mosaic.version = 14 : i64} {
  func.func @body(%arg0: i32, %arg1: i32, %arg2: memref<12288x768xf32, #tpu.memory_space<hbm>>, %arg3: memref<8192xi32, #tpu.memory_space<hbm>>, %arg4: memref<8192x768xf32, #tpu.memory_space<hbm>>, %arg5: memref<256xi32, #tpu.memory_space<vmem>>, %arg6: memref<64x768xf32, #tpu.memory_space<vmem>>, %arg7: memref<64x768xf32, #tpu.memory_space<vmem>>, %arg8: memref<2x!tpu.dma_semaphore, #tpu.memory_space<semaphore_mem>>, %arg9: memref<2x!tpu.dma_semaphore, #tpu.memory_space<semaphore_mem>>) attributes {dimension_semantics = [#tpu.dimension_semantics<core_parallel>, #tpu.dimension_semantics<subcore_parallel>], iteration_bounds = array<i64: 2, 16>, scalar_prefetch = 0 : i64, scratch_operands = 5 : i64, tpu.core_type = #tpu.core_type<sc_vector_subcore>, window_params = [{transform_indices = #map}, {transform_indices = #map1}, {transform_indices = #map}]} {
    %mul3A = arith.constant 2 : i32
    %mul3A_0 = arith.muli %arg1, %mul3A : i32
    %add3A = arith.addi %mul3A_0, %arg0 : i32
    %mul3A_1 = arith.constant 256 : i32
    %mul3A_2 = arith.muli %add3A, %mul3A_1 : i32
    "tpu.region"() ({
      %run_scoped3A = tpu.sem_alloc : memref<!tpu.dma_semaphore, #tpu.memory_space<semaphore_mem>>
      %dma_start3A_129 = tpu.memref_slice %arg3[%mul3A_2] : memref<8192xi32, #tpu.memory_space<hbm>> -> memref<256xi32, #tpu.memory_space<hbm>>
      %dma_start3A_130 = tpu.memref_slice %arg3[%mul3A_2] : memref<8192xi32, #tpu.memory_space<hbm>> -> memref<256xi32, #tpu.memory_space<hbm>>
      tpu.enqueue_dma source(%dma_start3A_130 : memref<256xi32, #tpu.memory_space<hbm>>) target(%arg5 : memref<256xi32, #tpu.memory_space<vmem>>) target_semaphore(%run_scoped3A : memref<!tpu.dma_semaphore, #tpu.memory_space<semaphore_mem>>)
      %dma_wait3A_131 = tpu.memref_slice %arg3[%mul3A_2] : memref<8192xi32, #tpu.memory_space<hbm>> -> memref<256xi32, #tpu.memory_space<hbm>>
      %dma_wait3A_132 = tpu.memref_slice %arg3[%mul3A_2] : memref<8192xi32, #tpu.memory_space<hbm>> -> memref<256xi32, #tpu.memory_space<hbm>>
      tpu.wait_dma2 semaphore(%run_scoped3A : memref<!tpu.dma_semaphore, #tpu.memory_space<semaphore_mem>>) src(%dma_wait3A_132 : memref<256xi32, #tpu.memory_space<hbm>>) dst(%arg5 : memref<256xi32, #tpu.memory_space<vmem>>)
      tpu.yield
    }) : () -> ()
    %dma_start3A = arith.constant 0 : i32
    %dma_start3A_3 = arith.constant 0 : i32
    %dma_start3A_4 = tpu.memref_slice %arg5[%dma_start3A_3] : memref<256xi32, #tpu.memory_space<vmem>> -> memref<64xi32, #tpu.memory_space<vmem>>
    %dma_start3A_5 = arith.constant 0 : i32
    %dma_start3A_6 = arith.constant 0 : i32
    %dma_start3A_7 = tpu.memref_slice %arg2[%dma_start3A_5, %dma_start3A_6] : memref<12288x768xf32, #tpu.memory_space<hbm>> -> memref<12288x768xf32, #tpu.memory_space<hbm>>
    %dma_start3A_8 = tpu.memref_slice %arg8[%dma_start3A] : memref<2x!tpu.dma_semaphore, #tpu.memory_space<semaphore_mem>> -> memref<1x!tpu.dma_semaphore, #tpu.memory_space<semaphore_mem>>
    %dma_start3A_9 = tpu.memref_squeeze %dma_start3A_8 : memref<1x!tpu.dma_semaphore, #tpu.memory_space<semaphore_mem>> -> memref<!tpu.dma_semaphore, #tpu.memory_space<semaphore_mem>>
    tpu.enqueue_indirect_dma source(%dma_start3A_7 : memref<12288x768xf32, #tpu.memory_space<hbm>>) target(%arg6 : memref<64x768xf32, #tpu.memory_space<vmem>>) offsets(%dma_start3A_4 : memref<64xi32, #tpu.memory_space<vmem>>) semaphore(%dma_start3A_9 : memref<!tpu.dma_semaphore, #tpu.memory_space<semaphore_mem>>)
    %dma_wait3A = arith.constant 0 : i32
    %dma_wait3A_10 = arith.constant 0 : i32
    %dma_wait3A_11 = tpu.memref_slice %arg5[%dma_wait3A_10] : memref<256xi32, #tpu.memory_space<vmem>> -> memref<64xi32, #tpu.memory_space<vmem>>
    %dma_wait3A_12 = arith.constant 0 : i32
    %dma_wait3A_13 = arith.constant 0 : i32
    %dma_wait3A_14 = tpu.memref_slice %arg2[%dma_wait3A_12, %dma_wait3A_13] : memref<12288x768xf32, #tpu.memory_space<hbm>> -> memref<12288x768xf32, #tpu.memory_space<hbm>>
    %dma_wait3A_15 = tpu.memref_slice %arg8[%dma_wait3A] : memref<2x!tpu.dma_semaphore, #tpu.memory_space<semaphore_mem>> -> memref<1x!tpu.dma_semaphore, #tpu.memory_space<semaphore_mem>>
    %dma_wait3A_16 = tpu.memref_squeeze %dma_wait3A_15 : memref<1x!tpu.dma_semaphore, #tpu.memory_space<semaphore_mem>> -> memref<!tpu.dma_semaphore, #tpu.memory_space<semaphore_mem>>
    tpu.wait_indirect_dma semaphore(%dma_wait3A_16 : memref<!tpu.dma_semaphore, #tpu.memory_space<semaphore_mem>>) src(%dma_wait3A_14 : memref<12288x768xf32, #tpu.memory_space<hbm>>) dst(%arg6 : memref<64x768xf32, #tpu.memory_space<vmem>>)
    %add3A_17 = arith.constant 0 : i32
    %add3A_18 = arith.addi %mul3A_2, %add3A_17 : i32
    %dma_start3A_19 = arith.constant 0 : i32
    %dma_start3A_20 = arith.constant 0 : i32
    %dma_start3A_21 = tpu.memref_slice %arg4[%add3A_18, %dma_start3A_20] : memref<8192x768xf32, #tpu.memory_space<hbm>> -> memref<64x768xf32, #tpu.memory_space<hbm>>
    %dma_start3A_22 = tpu.memref_slice %arg9[%dma_start3A_19] : memref<2x!tpu.dma_semaphore, #tpu.memory_space<semaphore_mem>> -> memref<1x!tpu.dma_semaphore, #tpu.memory_space<semaphore_mem>>
    %dma_start3A_23 = tpu.memref_squeeze %dma_start3A_22 : memref<1x!tpu.dma_semaphore, #tpu.memory_space<semaphore_mem>> -> memref<!tpu.dma_semaphore, #tpu.memory_space<semaphore_mem>>
    %dma_start3A_24 = arith.constant 0 : i32
    %dma_start3A_25 = tpu.memref_slice %arg4[%add3A_18, %dma_start3A_24] : memref<8192x768xf32, #tpu.memory_space<hbm>> -> memref<64x768xf32, #tpu.memory_space<hbm>>
    tpu.enqueue_dma source(%arg6 : memref<64x768xf32, #tpu.memory_space<vmem>>) target(%dma_start3A_25 : memref<64x768xf32, #tpu.memory_space<hbm>>) target_semaphore(%dma_start3A_23 : memref<!tpu.dma_semaphore, #tpu.memory_space<semaphore_mem>>)
    %dma_start3A_26 = arith.constant 1 : i32
    %dma_start3A_27 = arith.constant 64 : i32
    %dma_start3A_28 = tpu.memref_slice %arg5[%dma_start3A_27] : memref<256xi32, #tpu.memory_space<vmem>> -> memref<64xi32, #tpu.memory_space<vmem>>
    %dma_start3A_29 = arith.constant 0 : i32
    %dma_start3A_30 = arith.constant 0 : i32
    %dma_start3A_31 = tpu.memref_slice %arg2[%dma_start3A_29, %dma_start3A_30] : memref<12288x768xf32, #tpu.memory_space<hbm>> -> memref<12288x768xf32, #tpu.memory_space<hbm>>
    %dma_start3A_32 = tpu.memref_slice %arg8[%dma_start3A_26] : memref<2x!tpu.dma_semaphore, #tpu.memory_space<semaphore_mem>> -> memref<1x!tpu.dma_semaphore, #tpu.memory_space<semaphore_mem>>
    %dma_start3A_33 = tpu.memref_squeeze %dma_start3A_32 : memref<1x!tpu.dma_semaphore, #tpu.memory_space<semaphore_mem>> -> memref<!tpu.dma_semaphore, #tpu.memory_space<semaphore_mem>>
    tpu.enqueue_indirect_dma source(%dma_start3A_31 : memref<12288x768xf32, #tpu.memory_space<hbm>>) target(%arg7 : memref<64x768xf32, #tpu.memory_space<vmem>>) offsets(%dma_start3A_28 : memref<64xi32, #tpu.memory_space<vmem>>) semaphore(%dma_start3A_33 : memref<!tpu.dma_semaphore, #tpu.memory_space<semaphore_mem>>)
    %dma_wait3A_34 = arith.constant 1 : i32
    %dma_wait3A_35 = arith.constant 64 : i32
    %dma_wait3A_36 = tpu.memref_slice %arg5[%dma_wait3A_35] : memref<256xi32, #tpu.memory_space<vmem>> -> memref<64xi32, #tpu.memory_space<vmem>>
    %dma_wait3A_37 = arith.constant 0 : i32
    %dma_wait3A_38 = arith.constant 0 : i32
    %dma_wait3A_39 = tpu.memref_slice %arg2[%dma_wait3A_37, %dma_wait3A_38] : memref<12288x768xf32, #tpu.memory_space<hbm>> -> memref<12288x768xf32, #tpu.memory_space<hbm>>
    %dma_wait3A_40 = tpu.memref_slice %arg8[%dma_wait3A_34] : memref<2x!tpu.dma_semaphore, #tpu.memory_space<semaphore_mem>> -> memref<1x!tpu.dma_semaphore, #tpu.memory_space<semaphore_mem>>
    %dma_wait3A_41 = tpu.memref_squeeze %dma_wait3A_40 : memref<1x!tpu.dma_semaphore, #tpu.memory_space<semaphore_mem>> -> memref<!tpu.dma_semaphore, #tpu.memory_space<semaphore_mem>>
    tpu.wait_indirect_dma semaphore(%dma_wait3A_41 : memref<!tpu.dma_semaphore, #tpu.memory_space<semaphore_mem>>) src(%dma_wait3A_39 : memref<12288x768xf32, #tpu.memory_space<hbm>>) dst(%arg7 : memref<64x768xf32, #tpu.memory_space<vmem>>)
    %dma_wait3A_42 = arith.constant 0 : i32
    %dma_wait3A_43 = arith.constant 0 : i32
    %dma_wait3A_44 = tpu.memref_slice %arg4[%add3A_18, %dma_wait3A_43] : memref<8192x768xf32, #tpu.memory_space<hbm>> -> memref<64x768xf32, #tpu.memory_space<hbm>>
    %dma_wait3A_45 = tpu.memref_slice %arg9[%dma_wait3A_42] : memref<2x!tpu.dma_semaphore, #tpu.memory_space<semaphore_mem>> -> memref<1x!tpu.dma_semaphore, #tpu.memory_space<semaphore_mem>>
    %dma_wait3A_46 = tpu.memref_squeeze %dma_wait3A_45 : memref<1x!tpu.dma_semaphore, #tpu.memory_space<semaphore_mem>> -> memref<!tpu.dma_semaphore, #tpu.memory_space<semaphore_mem>>
    %dma_wait3A_47 = arith.constant 0 : i32
    %dma_wait3A_48 = tpu.memref_slice %arg4[%add3A_18, %dma_wait3A_47] : memref<8192x768xf32, #tpu.memory_space<hbm>> -> memref<64x768xf32, #tpu.memory_space<hbm>>
    tpu.wait_dma2 semaphore(%dma_wait3A_46 : memref<!tpu.dma_semaphore, #tpu.memory_space<semaphore_mem>>) src(%arg6 : memref<64x768xf32, #tpu.memory_space<vmem>>) dst(%dma_wait3A_48 : memref<64x768xf32, #tpu.memory_space<hbm>>)
    %add3A_49 = arith.constant 64 : i32
    %add3A_50 = arith.addi %mul3A_2, %add3A_49 : i32
    %dma_start3A_51 = arith.constant 1 : i32
    %dma_start3A_52 = arith.constant 0 : i32
    %dma_start3A_53 = tpu.memref_slice %arg4[%add3A_50, %dma_start3A_52] : memref<8192x768xf32, #tpu.memory_space<hbm>> -> memref<64x768xf32, #tpu.memory_space<hbm>>
    %dma_start3A_54 = tpu.memref_slice %arg9[%dma_start3A_51] : memref<2x!tpu.dma_semaphore, #tpu.memory_space<semaphore_mem>> -> memref<1x!tpu.dma_semaphore, #tpu.memory_space<semaphore_mem>>
    %dma_start3A_55 = tpu.memref_squeeze %dma_start3A_54 : memref<1x!tpu.dma_semaphore, #tpu.memory_space<semaphore_mem>> -> memref<!tpu.dma_semaphore, #tpu.memory_space<semaphore_mem>>
    %dma_start3A_56 = arith.constant 0 : i32
    %dma_start3A_57 = tpu.memref_slice %arg4[%add3A_50, %dma_start3A_56] : memref<8192x768xf32, #tpu.memory_space<hbm>> -> memref<64x768xf32, #tpu.memory_space<hbm>>
    tpu.enqueue_dma source(%arg7 : memref<64x768xf32, #tpu.memory_space<vmem>>) target(%dma_start3A_57 : memref<64x768xf32, #tpu.memory_space<hbm>>) target_semaphore(%dma_start3A_55 : memref<!tpu.dma_semaphore, #tpu.memory_space<semaphore_mem>>)
    %dma_start3A_58 = arith.constant 0 : i32
    %dma_start3A_59 = arith.constant 128 : i32
    %dma_start3A_60 = tpu.memref_slice %arg5[%dma_start3A_59] : memref<256xi32, #tpu.memory_space<vmem>> -> memref<64xi32, #tpu.memory_space<vmem>>
    %dma_start3A_61 = arith.constant 0 : i32
    %dma_start3A_62 = arith.constant 0 : i32
    %dma_start3A_63 = tpu.memref_slice %arg2[%dma_start3A_61, %dma_start3A_62] : memref<12288x768xf32, #tpu.memory_space<hbm>> -> memref<12288x768xf32, #tpu.memory_space<hbm>>
    %dma_start3A_64 = tpu.memref_slice %arg8[%dma_start3A_58] : memref<2x!tpu.dma_semaphore, #tpu.memory_space<semaphore_mem>> -> memref<1x!tpu.dma_semaphore, #tpu.memory_space<semaphore_mem>>
    %dma_start3A_65 = tpu.memref_squeeze %dma_start3A_64 : memref<1x!tpu.dma_semaphore, #tpu.memory_space<semaphore_mem>> -> memref<!tpu.dma_semaphore, #tpu.memory_space<semaphore_mem>>
    tpu.enqueue_indirect_dma source(%dma_start3A_63 : memref<12288x768xf32, #tpu.memory_space<hbm>>) target(%arg6 : memref<64x768xf32, #tpu.memory_space<vmem>>) offsets(%dma_start3A_60 : memref<64xi32, #tpu.memory_space<vmem>>) semaphore(%dma_start3A_65 : memref<!tpu.dma_semaphore, #tpu.memory_space<semaphore_mem>>)
    %dma_wait3A_66 = arith.constant 0 : i32
    %dma_wait3A_67 = arith.constant 128 : i32
    %dma_wait3A_68 = tpu.memref_slice %arg5[%dma_wait3A_67] : memref<256xi32, #tpu.memory_space<vmem>> -> memref<64xi32, #tpu.memory_space<vmem>>
    %dma_wait3A_69 = arith.constant 0 : i32
    %dma_wait3A_70 = arith.constant 0 : i32
    %dma_wait3A_71 = tpu.memref_slice %arg2[%dma_wait3A_69, %dma_wait3A_70] : memref<12288x768xf32, #tpu.memory_space<hbm>> -> memref<12288x768xf32, #tpu.memory_space<hbm>>
    %dma_wait3A_72 = tpu.memref_slice %arg8[%dma_wait3A_66] : memref<2x!tpu.dma_semaphore, #tpu.memory_space<semaphore_mem>> -> memref<1x!tpu.dma_semaphore, #tpu.memory_space<semaphore_mem>>
    %dma_wait3A_73 = tpu.memref_squeeze %dma_wait3A_72 : memref<1x!tpu.dma_semaphore, #tpu.memory_space<semaphore_mem>> -> memref<!tpu.dma_semaphore, #tpu.memory_space<semaphore_mem>>
    tpu.wait_indirect_dma semaphore(%dma_wait3A_73 : memref<!tpu.dma_semaphore, #tpu.memory_space<semaphore_mem>>) src(%dma_wait3A_71 : memref<12288x768xf32, #tpu.memory_space<hbm>>) dst(%arg6 : memref<64x768xf32, #tpu.memory_space<vmem>>)
    %dma_wait3A_74 = arith.constant 1 : i32
    %dma_wait3A_75 = arith.constant 0 : i32
    %dma_wait3A_76 = tpu.memref_slice %arg4[%add3A_50, %dma_wait3A_75] : memref<8192x768xf32, #tpu.memory_space<hbm>> -> memref<64x768xf32, #tpu.memory_space<hbm>>
    %dma_wait3A_77 = tpu.memref_slice %arg9[%dma_wait3A_74] : memref<2x!tpu.dma_semaphore, #tpu.memory_space<semaphore_mem>> -> memref<1x!tpu.dma_semaphore, #tpu.memory_space<semaphore_mem>>
    %dma_wait3A_78 = tpu.memref_squeeze %dma_wait3A_77 : memref<1x!tpu.dma_semaphore, #tpu.memory_space<semaphore_mem>> -> memref<!tpu.dma_semaphore, #tpu.memory_space<semaphore_mem>>
    %dma_wait3A_79 = arith.constant 0 : i32
    %dma_wait3A_80 = tpu.memref_slice %arg4[%add3A_50, %dma_wait3A_79] : memref<8192x768xf32, #tpu.memory_space<hbm>> -> memref<64x768xf32, #tpu.memory_space<hbm>>
    tpu.wait_dma2 semaphore(%dma_wait3A_78 : memref<!tpu.dma_semaphore, #tpu.memory_space<semaphore_mem>>) src(%arg7 : memref<64x768xf32, #tpu.memory_space<vmem>>) dst(%dma_wait3A_80 : memref<64x768xf32, #tpu.memory_space<hbm>>)
    %add3A_81 = arith.constant 128 : i32
    %add3A_82 = arith.addi %mul3A_2, %add3A_81 : i32
    %dma_start3A_83 = arith.constant 0 : i32
    %dma_start3A_84 = arith.constant 0 : i32
    %dma_start3A_85 = tpu.memref_slice %arg4[%add3A_82, %dma_start3A_84] : memref<8192x768xf32, #tpu.memory_space<hbm>> -> memref<64x768xf32, #tpu.memory_space<hbm>>
    %dma_start3A_86 = tpu.memref_slice %arg9[%dma_start3A_83] : memref<2x!tpu.dma_semaphore, #tpu.memory_space<semaphore_mem>> -> memref<1x!tpu.dma_semaphore, #tpu.memory_space<semaphore_mem>>
    %dma_start3A_87 = tpu.memref_squeeze %dma_start3A_86 : memref<1x!tpu.dma_semaphore, #tpu.memory_space<semaphore_mem>> -> memref<!tpu.dma_semaphore, #tpu.memory_space<semaphore_mem>>
    %dma_start3A_88 = arith.constant 0 : i32
    %dma_start3A_89 = tpu.memref_slice %arg4[%add3A_82, %dma_start3A_88] : memref<8192x768xf32, #tpu.memory_space<hbm>> -> memref<64x768xf32, #tpu.memory_space<hbm>>
    tpu.enqueue_dma source(%arg6 : memref<64x768xf32, #tpu.memory_space<vmem>>) target(%dma_start3A_89 : memref<64x768xf32, #tpu.memory_space<hbm>>) target_semaphore(%dma_start3A_87 : memref<!tpu.dma_semaphore, #tpu.memory_space<semaphore_mem>>)
    %dma_start3A_90 = arith.constant 1 : i32
    %dma_start3A_91 = arith.constant 192 : i32
    %dma_start3A_92 = tpu.memref_slice %arg5[%dma_start3A_91] : memref<256xi32, #tpu.memory_space<vmem>> -> memref<64xi32, #tpu.memory_space<vmem>>
    %dma_start3A_93 = arith.constant 0 : i32
    %dma_start3A_94 = arith.constant 0 : i32
    %dma_start3A_95 = tpu.memref_slice %arg2[%dma_start3A_93, %dma_start3A_94] : memref<12288x768xf32, #tpu.memory_space<hbm>> -> memref<12288x768xf32, #tpu.memory_space<hbm>>
    %dma_start3A_96 = tpu.memref_slice %arg8[%dma_start3A_90] : memref<2x!tpu.dma_semaphore, #tpu.memory_space<semaphore_mem>> -> memref<1x!tpu.dma_semaphore, #tpu.memory_space<semaphore_mem>>
    %dma_start3A_97 = tpu.memref_squeeze %dma_start3A_96 : memref<1x!tpu.dma_semaphore, #tpu.memory_space<semaphore_mem>> -> memref<!tpu.dma_semaphore, #tpu.memory_space<semaphore_mem>>
    tpu.enqueue_indirect_dma source(%dma_start3A_95 : memref<12288x768xf32, #tpu.memory_space<hbm>>) target(%arg7 : memref<64x768xf32, #tpu.memory_space<vmem>>) offsets(%dma_start3A_92 : memref<64xi32, #tpu.memory_space<vmem>>) semaphore(%dma_start3A_97 : memref<!tpu.dma_semaphore, #tpu.memory_space<semaphore_mem>>)
    %dma_wait3A_98 = arith.constant 1 : i32
    %dma_wait3A_99 = arith.constant 192 : i32
    %dma_wait3A_100 = tpu.memref_slice %arg5[%dma_wait3A_99] : memref<256xi32, #tpu.memory_space<vmem>> -> memref<64xi32, #tpu.memory_space<vmem>>
    %dma_wait3A_101 = arith.constant 0 : i32
    %dma_wait3A_102 = arith.constant 0 : i32
    %dma_wait3A_103 = tpu.memref_slice %arg2[%dma_wait3A_101, %dma_wait3A_102] : memref<12288x768xf32, #tpu.memory_space<hbm>> -> memref<12288x768xf32, #tpu.memory_space<hbm>>
    %dma_wait3A_104 = tpu.memref_slice %arg8[%dma_wait3A_98] : memref<2x!tpu.dma_semaphore, #tpu.memory_space<semaphore_mem>> -> memref<1x!tpu.dma_semaphore, #tpu.memory_space<semaphore_mem>>
    %dma_wait3A_105 = tpu.memref_squeeze %dma_wait3A_104 : memref<1x!tpu.dma_semaphore, #tpu.memory_space<semaphore_mem>> -> memref<!tpu.dma_semaphore, #tpu.memory_space<semaphore_mem>>
    tpu.wait_indirect_dma semaphore(%dma_wait3A_105 : memref<!tpu.dma_semaphore, #tpu.memory_space<semaphore_mem>>) src(%dma_wait3A_103 : memref<12288x768xf32, #tpu.memory_space<hbm>>) dst(%arg7 : memref<64x768xf32, #tpu.memory_space<vmem>>)
    %dma_wait3A_106 = arith.constant 0 : i32
    %dma_wait3A_107 = arith.constant 0 : i32
    %dma_wait3A_108 = tpu.memref_slice %arg4[%add3A_82, %dma_wait3A_107] : memref<8192x768xf32, #tpu.memory_space<hbm>> -> memref<64x768xf32, #tpu.memory_space<hbm>>
    %dma_wait3A_109 = tpu.memref_slice %arg9[%dma_wait3A_106] : memref<2x!tpu.dma_semaphore, #tpu.memory_space<semaphore_mem>> -> memref<1x!tpu.dma_semaphore, #tpu.memory_space<semaphore_mem>>
    %dma_wait3A_110 = tpu.memref_squeeze %dma_wait3A_109 : memref<1x!tpu.dma_semaphore, #tpu.memory_space<semaphore_mem>> -> memref<!tpu.dma_semaphore, #tpu.memory_space<semaphore_mem>>
    %dma_wait3A_111 = arith.constant 0 : i32
    %dma_wait3A_112 = tpu.memref_slice %arg4[%add3A_82, %dma_wait3A_111] : memref<8192x768xf32, #tpu.memory_space<hbm>> -> memref<64x768xf32, #tpu.memory_space<hbm>>
    tpu.wait_dma2 semaphore(%dma_wait3A_110 : memref<!tpu.dma_semaphore, #tpu.memory_space<semaphore_mem>>) src(%arg6 : memref<64x768xf32, #tpu.memory_space<vmem>>) dst(%dma_wait3A_112 : memref<64x768xf32, #tpu.memory_space<hbm>>)
    %add3A_113 = arith.constant 192 : i32
    %add3A_114 = arith.addi %mul3A_2, %add3A_113 : i32
    %dma_start3A_115 = arith.constant 1 : i32
    %dma_start3A_116 = arith.constant 0 : i32
    %dma_start3A_117 = tpu.memref_slice %arg4[%add3A_114, %dma_start3A_116] : memref<8192x768xf32, #tpu.memory_space<hbm>> -> memref<64x768xf32, #tpu.memory_space<hbm>>
    %dma_start3A_118 = tpu.memref_slice %arg9[%dma_start3A_115] : memref<2x!tpu.dma_semaphore, #tpu.memory_space<semaphore_mem>> -> memref<1x!tpu.dma_semaphore, #tpu.memory_space<semaphore_mem>>
    %dma_start3A_119 = tpu.memref_squeeze %dma_start3A_118 : memref<1x!tpu.dma_semaphore, #tpu.memory_space<semaphore_mem>> -> memref<!tpu.dma_semaphore, #tpu.memory_space<semaphore_mem>>
    %dma_start3A_120 = arith.constant 0 : i32
    %dma_start3A_121 = tpu.memref_slice %arg4[%add3A_114, %dma_start3A_120] : memref<8192x768xf32, #tpu.memory_space<hbm>> -> memref<64x768xf32, #tpu.memory_space<hbm>>
    tpu.enqueue_dma source(%arg7 : memref<64x768xf32, #tpu.memory_space<vmem>>) target(%dma_start3A_121 : memref<64x768xf32, #tpu.memory_space<hbm>>) target_semaphore(%dma_start3A_119 : memref<!tpu.dma_semaphore, #tpu.memory_space<semaphore_mem>>)
    %dma_wait3A_122 = arith.constant 1 : i32
    %dma_wait3A_123 = arith.constant 0 : i32
    %dma_wait3A_124 = tpu.memref_slice %arg4[%add3A_114, %dma_wait3A_123] : memref<8192x768xf32, #tpu.memory_space<hbm>> -> memref<64x768xf32, #tpu.memory_space<hbm>>
    %dma_wait3A_125 = tpu.memref_slice %arg9[%dma_wait3A_122] : memref<2x!tpu.dma_semaphore, #tpu.memory_space<semaphore_mem>> -> memref<1x!tpu.dma_semaphore, #tpu.memory_space<semaphore_mem>>
    %dma_wait3A_126 = tpu.memref_squeeze %dma_wait3A_125 : memref<1x!tpu.dma_semaphore, #tpu.memory_space<semaphore_mem>> -> memref<!tpu.dma_semaphore, #tpu.memory_space<semaphore_mem>>
    %dma_wait3A_127 = arith.constant 0 : i32
    %dma_wait3A_128 = tpu.memref_slice %arg4[%add3A_114, %dma_wait3A_127] : memref<8192x768xf32, #tpu.memory_space<hbm>> -> memref<64x768xf32, #tpu.memory_space<hbm>>
    tpu.wait_dma2 semaphore(%dma_wait3A_126 : memref<!tpu.dma_semaphore, #tpu.memory_space<semaphore_mem>>) src(%arg7 : memref<64x768xf32, #tpu.memory_space<vmem>>) dst(%dma_wait3A_128 : memref<64x768xf32, #tpu.memory_space<hbm>>)
    return
  }
}

#map = affine_map<(d0, d1) -> (0, 0)>
module attributes {stable_mosaic.version = 14 : i64} {
  func.func @body(%arg0: i32, %arg1: i32, %arg2: memref<8192x768xf32, #tpu.memory_space<hbm>>, %arg3: memref<128x64xi32, #tpu.memory_space<hbm>>, %arg4: memref<12288x768xf32, #tpu.memory_space<hbm>>, %arg5: memref<4x64xi32, #tpu.memory_space<vmem>>, %arg6: memref<64x768xf32, #tpu.memory_space<vmem>>, %arg7: memref<64x768xf32, #tpu.memory_space<vmem>>, %arg8: memref<2x!tpu.dma_semaphore, #tpu.memory_space<semaphore_mem>>, %arg9: memref<2x!tpu.dma_semaphore, #tpu.memory_space<semaphore_mem>>) attributes {dimension_semantics = [#tpu.dimension_semantics<core_parallel>, #tpu.dimension_semantics<subcore_parallel>], iteration_bounds = array<i64: 2, 16>, scalar_prefetch = 0 : i64, scratch_operands = 5 : i64, tpu.core_type = #tpu.core_type<sc_vector_subcore>, window_params = [{transform_indices = #map}, {transform_indices = #map}, {transform_indices = #map}]} {
    %mul3A = arith.constant 2 : i32
    %mul3A_0 = arith.muli %arg1, %mul3A : i32
    %add3A = arith.addi %mul3A_0, %arg0 : i32
    %mul3A_1 = arith.constant 256 : i32
    %mul3A_2 = arith.muli %add3A, %mul3A_1 : i32
    %mul3A_3 = arith.constant 4 : i32
    %mul3A_4 = arith.muli %add3A, %mul3A_3 : i32
    "tpu.region"() ({
      %run_scoped3A = tpu.sem_alloc : memref<!tpu.dma_semaphore, #tpu.memory_space<semaphore_mem>>
      %dma_start3A_145 = arith.constant 0 : i32
      %dma_start3A_146 = tpu.memref_slice %arg3[%mul3A_4, %dma_start3A_145] : memref<128x64xi32, #tpu.memory_space<hbm>> -> memref<4x64xi32, #tpu.memory_space<hbm>>
      %dma_start3A_147 = arith.constant 0 : i32
      %dma_start3A_148 = tpu.memref_slice %arg3[%mul3A_4, %dma_start3A_147] : memref<128x64xi32, #tpu.memory_space<hbm>> -> memref<4x64xi32, #tpu.memory_space<hbm>>
      tpu.enqueue_dma source(%dma_start3A_148 : memref<4x64xi32, #tpu.memory_space<hbm>>) target(%arg5 : memref<4x64xi32, #tpu.memory_space<vmem>>) target_semaphore(%run_scoped3A : memref<!tpu.dma_semaphore, #tpu.memory_space<semaphore_mem>>)
      %dma_wait3A_149 = arith.constant 0 : i32
      %dma_wait3A_150 = tpu.memref_slice %arg3[%mul3A_4, %dma_wait3A_149] : memref<128x64xi32, #tpu.memory_space<hbm>> -> memref<4x64xi32, #tpu.memory_space<hbm>>
      %dma_wait3A_151 = arith.constant 0 : i32
      %dma_wait3A_152 = tpu.memref_slice %arg3[%mul3A_4, %dma_wait3A_151] : memref<128x64xi32, #tpu.memory_space<hbm>> -> memref<4x64xi32, #tpu.memory_space<hbm>>
      tpu.wait_dma2 semaphore(%run_scoped3A : memref<!tpu.dma_semaphore, #tpu.memory_space<semaphore_mem>>) src(%dma_wait3A_152 : memref<4x64xi32, #tpu.memory_space<hbm>>) dst(%arg5 : memref<4x64xi32, #tpu.memory_space<vmem>>)
      tpu.yield
    }) : () -> ()
    %dma_start3A = arith.constant 0 : i32
    %dma_start3A_5 = arith.constant 0 : i32
    %dma_start3A_6 = tpu.memref_slice %arg2[%mul3A_2, %dma_start3A_5] : memref<8192x768xf32, #tpu.memory_space<hbm>> -> memref<64x768xf32, #tpu.memory_space<hbm>>
    %dma_start3A_7 = tpu.memref_slice %arg8[%dma_start3A] : memref<2x!tpu.dma_semaphore, #tpu.memory_space<semaphore_mem>> -> memref<1x!tpu.dma_semaphore, #tpu.memory_space<semaphore_mem>>
    %dma_start3A_8 = tpu.memref_squeeze %dma_start3A_7 : memref<1x!tpu.dma_semaphore, #tpu.memory_space<semaphore_mem>> -> memref<!tpu.dma_semaphore, #tpu.memory_space<semaphore_mem>>
    %dma_start3A_9 = arith.constant 0 : i32
    %dma_start3A_10 = tpu.memref_slice %arg2[%mul3A_2, %dma_start3A_9] : memref<8192x768xf32, #tpu.memory_space<hbm>> -> memref<64x768xf32, #tpu.memory_space<hbm>>
    tpu.enqueue_dma source(%dma_start3A_10 : memref<64x768xf32, #tpu.memory_space<hbm>>) target(%arg6 : memref<64x768xf32, #tpu.memory_space<vmem>>) target_semaphore(%dma_start3A_8 : memref<!tpu.dma_semaphore, #tpu.memory_space<semaphore_mem>>)
    %dma_wait3A = arith.constant 0 : i32
    %dma_wait3A_11 = arith.constant 0 : i32
    %dma_wait3A_12 = tpu.memref_slice %arg2[%mul3A_2, %dma_wait3A_11] : memref<8192x768xf32, #tpu.memory_space<hbm>> -> memref<64x768xf32, #tpu.memory_space<hbm>>
    %dma_wait3A_13 = tpu.memref_slice %arg8[%dma_wait3A] : memref<2x!tpu.dma_semaphore, #tpu.memory_space<semaphore_mem>> -> memref<1x!tpu.dma_semaphore, #tpu.memory_space<semaphore_mem>>
    %dma_wait3A_14 = tpu.memref_squeeze %dma_wait3A_13 : memref<1x!tpu.dma_semaphore, #tpu.memory_space<semaphore_mem>> -> memref<!tpu.dma_semaphore, #tpu.memory_space<semaphore_mem>>
    %dma_wait3A_15 = arith.constant 0 : i32
    %dma_wait3A_16 = tpu.memref_slice %arg2[%mul3A_2, %dma_wait3A_15] : memref<8192x768xf32, #tpu.memory_space<hbm>> -> memref<64x768xf32, #tpu.memory_space<hbm>>
    tpu.wait_dma2 semaphore(%dma_wait3A_14 : memref<!tpu.dma_semaphore, #tpu.memory_space<semaphore_mem>>) src(%dma_wait3A_16 : memref<64x768xf32, #tpu.memory_space<hbm>>) dst(%arg6 : memref<64x768xf32, #tpu.memory_space<vmem>>)
    %dma_start3A_17 = arith.constant 0 : i32
    %dma_start3A_18 = arith.constant 0 : i32
    %dma_start3A_19 = arith.constant 0 : i32
    %dma_start3A_20 = tpu.memref_slice %arg5[%dma_start3A_17, %dma_start3A_19] : memref<4x64xi32, #tpu.memory_space<vmem>> -> memref<1x64xi32, #tpu.memory_space<vmem>>
    %dma_start3A_21 = tpu.memref_squeeze %dma_start3A_20 : memref<1x64xi32, #tpu.memory_space<vmem>> -> memref<64xi32, #tpu.memory_space<vmem>>
    %dma_start3A_22 = arith.constant 0 : i32
    %dma_start3A_23 = arith.constant 0 : i32
    %dma_start3A_24 = tpu.memref_slice %arg4[%dma_start3A_22, %dma_start3A_23] : memref<12288x768xf32, #tpu.memory_space<hbm>> -> memref<12288x768xf32, #tpu.memory_space<hbm>>
    %dma_start3A_25 = tpu.memref_slice %arg9[%dma_start3A_18] : memref<2x!tpu.dma_semaphore, #tpu.memory_space<semaphore_mem>> -> memref<1x!tpu.dma_semaphore, #tpu.memory_space<semaphore_mem>>
    %dma_start3A_26 = tpu.memref_squeeze %dma_start3A_25 : memref<1x!tpu.dma_semaphore, #tpu.memory_space<semaphore_mem>> -> memref<!tpu.dma_semaphore, #tpu.memory_space<semaphore_mem>>
    tpu.enqueue_indirect_dma source(%arg6 : memref<64x768xf32, #tpu.memory_space<vmem>>) target(%dma_start3A_24 : memref<12288x768xf32, #tpu.memory_space<hbm>>) offsets(%dma_start3A_21 : memref<64xi32, #tpu.memory_space<vmem>>) semaphore(%dma_start3A_26 : memref<!tpu.dma_semaphore, #tpu.memory_space<semaphore_mem>>)
    %add3A_27 = arith.constant 64 : i32
    %add3A_28 = arith.addi %mul3A_2, %add3A_27 : i32
    %dma_start3A_29 = arith.constant 1 : i32
    %dma_start3A_30 = arith.constant 0 : i32
    %dma_start3A_31 = tpu.memref_slice %arg2[%add3A_28, %dma_start3A_30] : memref<8192x768xf32, #tpu.memory_space<hbm>> -> memref<64x768xf32, #tpu.memory_space<hbm>>
    %dma_start3A_32 = tpu.memref_slice %arg8[%dma_start3A_29] : memref<2x!tpu.dma_semaphore, #tpu.memory_space<semaphore_mem>> -> memref<1x!tpu.dma_semaphore, #tpu.memory_space<semaphore_mem>>
    %dma_start3A_33 = tpu.memref_squeeze %dma_start3A_32 : memref<1x!tpu.dma_semaphore, #tpu.memory_space<semaphore_mem>> -> memref<!tpu.dma_semaphore, #tpu.memory_space<semaphore_mem>>
    %dma_start3A_34 = arith.constant 0 : i32
    %dma_start3A_35 = tpu.memref_slice %arg2[%add3A_28, %dma_start3A_34] : memref<8192x768xf32, #tpu.memory_space<hbm>> -> memref<64x768xf32, #tpu.memory_space<hbm>>
    tpu.enqueue_dma source(%dma_start3A_35 : memref<64x768xf32, #tpu.memory_space<hbm>>) target(%arg7 : memref<64x768xf32, #tpu.memory_space<vmem>>) target_semaphore(%dma_start3A_33 : memref<!tpu.dma_semaphore, #tpu.memory_space<semaphore_mem>>)
    %dma_wait3A_36 = arith.constant 1 : i32
    %dma_wait3A_37 = arith.constant 0 : i32
    %dma_wait3A_38 = tpu.memref_slice %arg2[%add3A_28, %dma_wait3A_37] : memref<8192x768xf32, #tpu.memory_space<hbm>> -> memref<64x768xf32, #tpu.memory_space<hbm>>
    %dma_wait3A_39 = tpu.memref_slice %arg8[%dma_wait3A_36] : memref<2x!tpu.dma_semaphore, #tpu.memory_space<semaphore_mem>> -> memref<1x!tpu.dma_semaphore, #tpu.memory_space<semaphore_mem>>
    %dma_wait3A_40 = tpu.memref_squeeze %dma_wait3A_39 : memref<1x!tpu.dma_semaphore, #tpu.memory_space<semaphore_mem>> -> memref<!tpu.dma_semaphore, #tpu.memory_space<semaphore_mem>>
    %dma_wait3A_41 = arith.constant 0 : i32
    %dma_wait3A_42 = tpu.memref_slice %arg2[%add3A_28, %dma_wait3A_41] : memref<8192x768xf32, #tpu.memory_space<hbm>> -> memref<64x768xf32, #tpu.memory_space<hbm>>
    tpu.wait_dma2 semaphore(%dma_wait3A_40 : memref<!tpu.dma_semaphore, #tpu.memory_space<semaphore_mem>>) src(%dma_wait3A_42 : memref<64x768xf32, #tpu.memory_space<hbm>>) dst(%arg7 : memref<64x768xf32, #tpu.memory_space<vmem>>)
    %dma_wait3A_43 = arith.constant 0 : i32
    %dma_wait3A_44 = arith.constant 0 : i32
    %dma_wait3A_45 = arith.constant 0 : i32
    %dma_wait3A_46 = tpu.memref_slice %arg5[%dma_wait3A_43, %dma_wait3A_45] : memref<4x64xi32, #tpu.memory_space<vmem>> -> memref<1x64xi32, #tpu.memory_space<vmem>>
    %dma_wait3A_47 = tpu.memref_squeeze %dma_wait3A_46 : memref<1x64xi32, #tpu.memory_space<vmem>> -> memref<64xi32, #tpu.memory_space<vmem>>
    %dma_wait3A_48 = arith.constant 0 : i32
    %dma_wait3A_49 = arith.constant 0 : i32
    %dma_wait3A_50 = tpu.memref_slice %arg4[%dma_wait3A_48, %dma_wait3A_49] : memref<12288x768xf32, #tpu.memory_space<hbm>> -> memref<12288x768xf32, #tpu.memory_space<hbm>>
    %dma_wait3A_51 = tpu.memref_slice %arg9[%dma_wait3A_44] : memref<2x!tpu.dma_semaphore, #tpu.memory_space<semaphore_mem>> -> memref<1x!tpu.dma_semaphore, #tpu.memory_space<semaphore_mem>>
    %dma_wait3A_52 = tpu.memref_squeeze %dma_wait3A_51 : memref<1x!tpu.dma_semaphore, #tpu.memory_space<semaphore_mem>> -> memref<!tpu.dma_semaphore, #tpu.memory_space<semaphore_mem>>
    tpu.wait_indirect_dma semaphore(%dma_wait3A_52 : memref<!tpu.dma_semaphore, #tpu.memory_space<semaphore_mem>>) src(%arg6 : memref<64x768xf32, #tpu.memory_space<vmem>>) dst(%dma_wait3A_50 : memref<12288x768xf32, #tpu.memory_space<hbm>>)
    %dma_start3A_53 = arith.constant 1 : i32
    %dma_start3A_54 = arith.constant 1 : i32
    %dma_start3A_55 = arith.constant 0 : i32
    %dma_start3A_56 = tpu.memref_slice %arg5[%dma_start3A_53, %dma_start3A_55] : memref<4x64xi32, #tpu.memory_space<vmem>> -> memref<1x64xi32, #tpu.memory_space<vmem>>
    %dma_start3A_57 = tpu.memref_squeeze %dma_start3A_56 : memref<1x64xi32, #tpu.memory_space<vmem>> -> memref<64xi32, #tpu.memory_space<vmem>>
    %dma_start3A_58 = arith.constant 0 : i32
    %dma_start3A_59 = arith.constant 0 : i32
    %dma_start3A_60 = tpu.memref_slice %arg4[%dma_start3A_58, %dma_start3A_59] : memref<12288x768xf32, #tpu.memory_space<hbm>> -> memref<12288x768xf32, #tpu.memory_space<hbm>>
    %dma_start3A_61 = tpu.memref_slice %arg9[%dma_start3A_54] : memref<2x!tpu.dma_semaphore, #tpu.memory_space<semaphore_mem>> -> memref<1x!tpu.dma_semaphore, #tpu.memory_space<semaphore_mem>>
    %dma_start3A_62 = tpu.memref_squeeze %dma_start3A_61 : memref<1x!tpu.dma_semaphore, #tpu.memory_space<semaphore_mem>> -> memref<!tpu.dma_semaphore, #tpu.memory_space<semaphore_mem>>
    tpu.enqueue_indirect_dma source(%arg7 : memref<64x768xf32, #tpu.memory_space<vmem>>) target(%dma_start3A_60 : memref<12288x768xf32, #tpu.memory_space<hbm>>) offsets(%dma_start3A_57 : memref<64xi32, #tpu.memory_space<vmem>>) semaphore(%dma_start3A_62 : memref<!tpu.dma_semaphore, #tpu.memory_space<semaphore_mem>>)
    %add3A_63 = arith.constant 128 : i32
    %add3A_64 = arith.addi %mul3A_2, %add3A_63 : i32
    %dma_start3A_65 = arith.constant 0 : i32
    %dma_start3A_66 = arith.constant 0 : i32
    %dma_start3A_67 = tpu.memref_slice %arg2[%add3A_64, %dma_start3A_66] : memref<8192x768xf32, #tpu.memory_space<hbm>> -> memref<64x768xf32, #tpu.memory_space<hbm>>
    %dma_start3A_68 = tpu.memref_slice %arg8[%dma_start3A_65] : memref<2x!tpu.dma_semaphore, #tpu.memory_space<semaphore_mem>> -> memref<1x!tpu.dma_semaphore, #tpu.memory_space<semaphore_mem>>
    %dma_start3A_69 = tpu.memref_squeeze %dma_start3A_68 : memref<1x!tpu.dma_semaphore, #tpu.memory_space<semaphore_mem>> -> memref<!tpu.dma_semaphore, #tpu.memory_space<semaphore_mem>>
    %dma_start3A_70 = arith.constant 0 : i32
    %dma_start3A_71 = tpu.memref_slice %arg2[%add3A_64, %dma_start3A_70] : memref<8192x768xf32, #tpu.memory_space<hbm>> -> memref<64x768xf32, #tpu.memory_space<hbm>>
    tpu.enqueue_dma source(%dma_start3A_71 : memref<64x768xf32, #tpu.memory_space<hbm>>) target(%arg6 : memref<64x768xf32, #tpu.memory_space<vmem>>) target_semaphore(%dma_start3A_69 : memref<!tpu.dma_semaphore, #tpu.memory_space<semaphore_mem>>)
    %dma_wait3A_72 = arith.constant 0 : i32
    %dma_wait3A_73 = arith.constant 0 : i32
    %dma_wait3A_74 = tpu.memref_slice %arg2[%add3A_64, %dma_wait3A_73] : memref<8192x768xf32, #tpu.memory_space<hbm>> -> memref<64x768xf32, #tpu.memory_space<hbm>>
    %dma_wait3A_75 = tpu.memref_slice %arg8[%dma_wait3A_72] : memref<2x!tpu.dma_semaphore, #tpu.memory_space<semaphore_mem>> -> memref<1x!tpu.dma_semaphore, #tpu.memory_space<semaphore_mem>>
    %dma_wait3A_76 = tpu.memref_squeeze %dma_wait3A_75 : memref<1x!tpu.dma_semaphore, #tpu.memory_space<semaphore_mem>> -> memref<!tpu.dma_semaphore, #tpu.memory_space<semaphore_mem>>
    %dma_wait3A_77 = arith.constant 0 : i32
    %dma_wait3A_78 = tpu.memref_slice %arg2[%add3A_64, %dma_wait3A_77] : memref<8192x768xf32, #tpu.memory_space<hbm>> -> memref<64x768xf32, #tpu.memory_space<hbm>>
    tpu.wait_dma2 semaphore(%dma_wait3A_76 : memref<!tpu.dma_semaphore, #tpu.memory_space<semaphore_mem>>) src(%dma_wait3A_78 : memref<64x768xf32, #tpu.memory_space<hbm>>) dst(%arg6 : memref<64x768xf32, #tpu.memory_space<vmem>>)
    %dma_wait3A_79 = arith.constant 1 : i32
    %dma_wait3A_80 = arith.constant 1 : i32
    %dma_wait3A_81 = arith.constant 0 : i32
    %dma_wait3A_82 = tpu.memref_slice %arg5[%dma_wait3A_79, %dma_wait3A_81] : memref<4x64xi32, #tpu.memory_space<vmem>> -> memref<1x64xi32, #tpu.memory_space<vmem>>
    %dma_wait3A_83 = tpu.memref_squeeze %dma_wait3A_82 : memref<1x64xi32, #tpu.memory_space<vmem>> -> memref<64xi32, #tpu.memory_space<vmem>>
    %dma_wait3A_84 = arith.constant 0 : i32
    %dma_wait3A_85 = arith.constant 0 : i32
    %dma_wait3A_86 = tpu.memref_slice %arg4[%dma_wait3A_84, %dma_wait3A_85] : memref<12288x768xf32, #tpu.memory_space<hbm>> -> memref<12288x768xf32, #tpu.memory_space<hbm>>
    %dma_wait3A_87 = tpu.memref_slice %arg9[%dma_wait3A_80] : memref<2x!tpu.dma_semaphore, #tpu.memory_space<semaphore_mem>> -> memref<1x!tpu.dma_semaphore, #tpu.memory_space<semaphore_mem>>
    %dma_wait3A_88 = tpu.memref_squeeze %dma_wait3A_87 : memref<1x!tpu.dma_semaphore, #tpu.memory_space<semaphore_mem>> -> memref<!tpu.dma_semaphore, #tpu.memory_space<semaphore_mem>>
    tpu.wait_indirect_dma semaphore(%dma_wait3A_88 : memref<!tpu.dma_semaphore, #tpu.memory_space<semaphore_mem>>) src(%arg7 : memref<64x768xf32, #tpu.memory_space<vmem>>) dst(%dma_wait3A_86 : memref<12288x768xf32, #tpu.memory_space<hbm>>)
    %dma_start3A_89 = arith.constant 2 : i32
    %dma_start3A_90 = arith.constant 0 : i32
    %dma_start3A_91 = arith.constant 0 : i32
    %dma_start3A_92 = tpu.memref_slice %arg5[%dma_start3A_89, %dma_start3A_91] : memref<4x64xi32, #tpu.memory_space<vmem>> -> memref<1x64xi32, #tpu.memory_space<vmem>>
    %dma_start3A_93 = tpu.memref_squeeze %dma_start3A_92 : memref<1x64xi32, #tpu.memory_space<vmem>> -> memref<64xi32, #tpu.memory_space<vmem>>
    %dma_start3A_94 = arith.constant 0 : i32
    %dma_start3A_95 = arith.constant 0 : i32
    %dma_start3A_96 = tpu.memref_slice %arg4[%dma_start3A_94, %dma_start3A_95] : memref<12288x768xf32, #tpu.memory_space<hbm>> -> memref<12288x768xf32, #tpu.memory_space<hbm>>
    %dma_start3A_97 = tpu.memref_slice %arg9[%dma_start3A_90] : memref<2x!tpu.dma_semaphore, #tpu.memory_space<semaphore_mem>> -> memref<1x!tpu.dma_semaphore, #tpu.memory_space<semaphore_mem>>
    %dma_start3A_98 = tpu.memref_squeeze %dma_start3A_97 : memref<1x!tpu.dma_semaphore, #tpu.memory_space<semaphore_mem>> -> memref<!tpu.dma_semaphore, #tpu.memory_space<semaphore_mem>>
    tpu.enqueue_indirect_dma source(%arg6 : memref<64x768xf32, #tpu.memory_space<vmem>>) target(%dma_start3A_96 : memref<12288x768xf32, #tpu.memory_space<hbm>>) offsets(%dma_start3A_93 : memref<64xi32, #tpu.memory_space<vmem>>) semaphore(%dma_start3A_98 : memref<!tpu.dma_semaphore, #tpu.memory_space<semaphore_mem>>)
    %add3A_99 = arith.constant 192 : i32
    %add3A_100 = arith.addi %mul3A_2, %add3A_99 : i32
    %dma_start3A_101 = arith.constant 1 : i32
    %dma_start3A_102 = arith.constant 0 : i32
    %dma_start3A_103 = tpu.memref_slice %arg2[%add3A_100, %dma_start3A_102] : memref<8192x768xf32, #tpu.memory_space<hbm>> -> memref<64x768xf32, #tpu.memory_space<hbm>>
    %dma_start3A_104 = tpu.memref_slice %arg8[%dma_start3A_101] : memref<2x!tpu.dma_semaphore, #tpu.memory_space<semaphore_mem>> -> memref<1x!tpu.dma_semaphore, #tpu.memory_space<semaphore_mem>>
    %dma_start3A_105 = tpu.memref_squeeze %dma_start3A_104 : memref<1x!tpu.dma_semaphore, #tpu.memory_space<semaphore_mem>> -> memref<!tpu.dma_semaphore, #tpu.memory_space<semaphore_mem>>
    %dma_start3A_106 = arith.constant 0 : i32
    %dma_start3A_107 = tpu.memref_slice %arg2[%add3A_100, %dma_start3A_106] : memref<8192x768xf32, #tpu.memory_space<hbm>> -> memref<64x768xf32, #tpu.memory_space<hbm>>
    tpu.enqueue_dma source(%dma_start3A_107 : memref<64x768xf32, #tpu.memory_space<hbm>>) target(%arg7 : memref<64x768xf32, #tpu.memory_space<vmem>>) target_semaphore(%dma_start3A_105 : memref<!tpu.dma_semaphore, #tpu.memory_space<semaphore_mem>>)
    %dma_wait3A_108 = arith.constant 1 : i32
    %dma_wait3A_109 = arith.constant 0 : i32
    %dma_wait3A_110 = tpu.memref_slice %arg2[%add3A_100, %dma_wait3A_109] : memref<8192x768xf32, #tpu.memory_space<hbm>> -> memref<64x768xf32, #tpu.memory_space<hbm>>
    %dma_wait3A_111 = tpu.memref_slice %arg8[%dma_wait3A_108] : memref<2x!tpu.dma_semaphore, #tpu.memory_space<semaphore_mem>> -> memref<1x!tpu.dma_semaphore, #tpu.memory_space<semaphore_mem>>
    %dma_wait3A_112 = tpu.memref_squeeze %dma_wait3A_111 : memref<1x!tpu.dma_semaphore, #tpu.memory_space<semaphore_mem>> -> memref<!tpu.dma_semaphore, #tpu.memory_space<semaphore_mem>>
    %dma_wait3A_113 = arith.constant 0 : i32
    %dma_wait3A_114 = tpu.memref_slice %arg2[%add3A_100, %dma_wait3A_113] : memref<8192x768xf32, #tpu.memory_space<hbm>> -> memref<64x768xf32, #tpu.memory_space<hbm>>
    tpu.wait_dma2 semaphore(%dma_wait3A_112 : memref<!tpu.dma_semaphore, #tpu.memory_space<semaphore_mem>>) src(%dma_wait3A_114 : memref<64x768xf32, #tpu.memory_space<hbm>>) dst(%arg7 : memref<64x768xf32, #tpu.memory_space<vmem>>)
    %dma_wait3A_115 = arith.constant 2 : i32
    %dma_wait3A_116 = arith.constant 0 : i32
    %dma_wait3A_117 = arith.constant 0 : i32
    %dma_wait3A_118 = tpu.memref_slice %arg5[%dma_wait3A_115, %dma_wait3A_117] : memref<4x64xi32, #tpu.memory_space<vmem>> -> memref<1x64xi32, #tpu.memory_space<vmem>>
    %dma_wait3A_119 = tpu.memref_squeeze %dma_wait3A_118 : memref<1x64xi32, #tpu.memory_space<vmem>> -> memref<64xi32, #tpu.memory_space<vmem>>
    %dma_wait3A_120 = arith.constant 0 : i32
    %dma_wait3A_121 = arith.constant 0 : i32
    %dma_wait3A_122 = tpu.memref_slice %arg4[%dma_wait3A_120, %dma_wait3A_121] : memref<12288x768xf32, #tpu.memory_space<hbm>> -> memref<12288x768xf32, #tpu.memory_space<hbm>>
    %dma_wait3A_123 = tpu.memref_slice %arg9[%dma_wait3A_116] : memref<2x!tpu.dma_semaphore, #tpu.memory_space<semaphore_mem>> -> memref<1x!tpu.dma_semaphore, #tpu.memory_space<semaphore_mem>>
    %dma_wait3A_124 = tpu.memref_squeeze %dma_wait3A_123 : memref<1x!tpu.dma_semaphore, #tpu.memory_space<semaphore_mem>> -> memref<!tpu.dma_semaphore, #tpu.memory_space<semaphore_mem>>
    tpu.wait_indirect_dma semaphore(%dma_wait3A_124 : memref<!tpu.dma_semaphore, #tpu.memory_space<semaphore_mem>>) src(%arg6 : memref<64x768xf32, #tpu.memory_space<vmem>>) dst(%dma_wait3A_122 : memref<12288x768xf32, #tpu.memory_space<hbm>>)
    %dma_start3A_125 = arith.constant 3 : i32
    %dma_start3A_126 = arith.constant 1 : i32
    %dma_start3A_127 = arith.constant 0 : i32
    %dma_start3A_128 = tpu.memref_slice %arg5[%dma_start3A_125, %dma_start3A_127] : memref<4x64xi32, #tpu.memory_space<vmem>> -> memref<1x64xi32, #tpu.memory_space<vmem>>
    %dma_start3A_129 = tpu.memref_squeeze %dma_start3A_128 : memref<1x64xi32, #tpu.memory_space<vmem>> -> memref<64xi32, #tpu.memory_space<vmem>>
    %dma_start3A_130 = arith.constant 0 : i32
    %dma_start3A_131 = arith.constant 0 : i32
    %dma_start3A_132 = tpu.memref_slice %arg4[%dma_start3A_130, %dma_start3A_131] : memref<12288x768xf32, #tpu.memory_space<hbm>> -> memref<12288x768xf32, #tpu.memory_space<hbm>>
    %dma_start3A_133 = tpu.memref_slice %arg9[%dma_start3A_126] : memref<2x!tpu.dma_semaphore, #tpu.memory_space<semaphore_mem>> -> memref<1x!tpu.dma_semaphore, #tpu.memory_space<semaphore_mem>>
    %dma_start3A_134 = tpu.memref_squeeze %dma_start3A_133 : memref<1x!tpu.dma_semaphore, #tpu.memory_space<semaphore_mem>> -> memref<!tpu.dma_semaphore, #tpu.memory_space<semaphore_mem>>
    tpu.enqueue_indirect_dma source(%arg7 : memref<64x768xf32, #tpu.memory_space<vmem>>) target(%dma_start3A_132 : memref<12288x768xf32, #tpu.memory_space<hbm>>) offsets(%dma_start3A_129 : memref<64xi32, #tpu.memory_space<vmem>>) semaphore(%dma_start3A_134 : memref<!tpu.dma_semaphore, #tpu.memory_space<semaphore_mem>>)
    %dma_wait3A_135 = arith.constant 3 : i32
    %dma_wait3A_136 = arith.constant 1 : i32
    %dma_wait3A_137 = arith.constant 0 : i32
    %dma_wait3A_138 = tpu.memref_slice %arg5[%dma_wait3A_135, %dma_wait3A_137] : memref<4x64xi32, #tpu.memory_space<vmem>> -> memref<1x64xi32, #tpu.memory_space<vmem>>
    %dma_wait3A_139 = tpu.memref_squeeze %dma_wait3A_138 : memref<1x64xi32, #tpu.memory_space<vmem>> -> memref<64xi32, #tpu.memory_space<vmem>>
    %dma_wait3A_140 = arith.constant 0 : i32
    %dma_wait3A_141 = arith.constant 0 : i32
    %dma_wait3A_142 = tpu.memref_slice %arg4[%dma_wait3A_140, %dma_wait3A_141] : memref<12288x768xf32, #tpu.memory_space<hbm>> -> memref<12288x768xf32, #tpu.memory_space<hbm>>
    %dma_wait3A_143 = tpu.memref_slice %arg9[%dma_wait3A_136] : memref<2x!tpu.dma_semaphore, #tpu.memory_space<semaphore_mem>> -> memref<1x!tpu.dma_semaphore, #tpu.memory_space<semaphore_mem>>
    %dma_wait3A_144 = tpu.memref_squeeze %dma_wait3A_143 : memref<1x!tpu.dma_semaphore, #tpu.memory_space<semaphore_mem>> -> memref<!tpu.dma_semaphore, #tpu.memory_space<semaphore_mem>>
    tpu.wait_indirect_dma semaphore(%dma_wait3A_144 : memref<!tpu.dma_semaphore, #tpu.memory_space<semaphore_mem>>) src(%arg7 : memref<64x768xf32, #tpu.memory_space<vmem>>) dst(%dma_wait3A_142 : memref<12288x768xf32, #tpu.memory_space<hbm>>)
    return
  }
}

module attributes {stable_mosaic.version = 14 : i64} {
  func.func @_gate_body(%arg0: i32, %arg1: memref<512x768xf32, #tpu.memory_space<vmem>>, %arg2: memref<768x128xf32, #tpu.memory_space<vmem>>, %arg3: memref<1x128xf32, #tpu.memory_space<vmem>>, %arg4: memref<512x128xf32, #tpu.memory_space<vmem>>) attributes {dimension_semantics = [#tpu.dimension_semantics<arbitrary>], iteration_bounds = array<i64: 16>, scalar_prefetch = 0 : i64, scratch_operands = 0 : i64, tpu.core_type = #tpu.core_type<tc>, window_params = [{transform_indices = @transform_0, window_bounds = array<i64: 512, 768>}, {pipeline_mode = #tpu.pipeline_mode<synchronous>, transform_indices = @transform_1, window_bounds = array<i64: 768, 128>}, {pipeline_mode = #tpu.pipeline_mode<synchronous>, transform_indices = @transform_2, window_bounds = array<i64: 1, 128>}, {transform_indices = @transform_3, window_bounds = array<i64: 512, 128>}]} {
    %get3A = arith.constant 0 : index
    %get3A_0 = arith.constant 0 : index
    %get3A_1 = vector.load %arg1[%get3A, %get3A_0] : memref<512x768xf32, #tpu.memory_space<vmem>>, vector<512x768xf32>
    %get3A_2 = arith.constant 0 : index
    %get3A_3 = arith.constant 0 : index
    %get3A_4 = vector.load %arg2[%get3A_2, %get3A_3] : memref<768x128xf32, #tpu.memory_space<vmem>>, vector<768x128xf32>
    %dot_general3A = arith.constant dense<0.000000e+00> : vector<512x128xf32>
    %dot_general3A_5 = tpu.matmul %get3A_1, %get3A_4, %dot_general3A {dimension_numbers = #tpu.dot_dimension_numbers<[1], [0], [0], [1], [0, 0, 1, 1], [], []>, transpose_lhs_hint = false} : vector<512x768xf32>, vector<768x128xf32>, vector<512x128xf32> -> vector<512x128xf32>
    %get3A_6 = arith.constant 0 : index
    %get3A_7 = arith.constant 0 : index
    %get3A_8 = vector.load %arg3[%get3A_6, %get3A_7] : memref<1x128xf32, #tpu.memory_space<vmem>>, vector<1x128xf32>
    %add3A = vector.broadcast %get3A_8 : vector<1x128xf32> to vector<512x128xf32>
    %add3A_9 = arith.addf %dot_general3A_5, %add3A : vector<512x128xf32>
    %swap3A = arith.constant 0 : index
    %swap3A_10 = arith.constant 0 : index
    %swap3A_11 = vector.load %arg4[%swap3A, %swap3A_10] : memref<512x128xf32, #tpu.memory_space<vmem>>, vector<512x128xf32>
    tpu.vector_store %arg4[%swap3A, %swap3A_10], %add3A_9 {strides = array<i32>} : memref<512x128xf32, #tpu.memory_space<vmem>>, vector<512x128xf32>,
    return
  }
  func.func @transform_0(%arg0: i32) -> (i32, i32) {
    %c0_i32 = arith.constant 0 : i32
    %c0_i32_0 = arith.constant 0 : i32
    return %arg0, %c0_i32 : i32, i32
  }
  func.func @transform_1(%arg0: i32) -> (i32, i32) {
    %c0_i32 = arith.constant 0 : i32
    %c0_i32_0 = arith.constant 0 : i32
    %c0_i32_1 = arith.constant 0 : i32
    return %c0_i32, %c0_i32_0 : i32, i32
  }
  func.func @transform_2(%arg0: i32) -> (i32, i32) {
    %c0_i32 = arith.constant 0 : i32
    %c0_i32_0 = arith.constant 0 : i32
    %c0_i32_1 = arith.constant 0 : i32
    return %c0_i32, %c0_i32_0 : i32, i32
  }
  func.func @transform_3(%arg0: i32) -> (i32, i32) {
    %c0_i32 = arith.constant 0 : i32
    %c0_i32_0 = arith.constant 0 : i32
    return %arg0, %c0_i32 : i32, i32
  }
}

module attributes {stable_mosaic.version = 14 : i64} {
  func.func @_ffn_body(%arg0: i32, %arg1: memref<2x24xi32, #tpu.memory_space<smem>>, %arg2: memref<512x768xf32, #tpu.memory_space<vmem>>, %arg3: memref<1x768x768xf32, #tpu.memory_space<vmem>>, %arg4: memref<1x1x768xf32, #tpu.memory_space<vmem>>, %arg5: memref<1x768x768xf32, #tpu.memory_space<vmem>>, %arg6: memref<1x1x768xf32, #tpu.memory_space<vmem>>, %arg7: memref<512x768xf32, #tpu.memory_space<vmem>>) attributes {dimension_semantics = [#tpu.dimension_semantics<arbitrary>], iteration_bounds = array<i64: 24>, scalar_prefetch = 1 : i64, scratch_operands = 0 : i64, tpu.core_type = #tpu.core_type<tc>, window_params = [{transform_indices = @transform_0, window_bounds = array<i64: 512, 768>}, {transform_indices = @transform_1, window_bounds = array<i64: 1, 768, 768>}, {transform_indices = @transform_2, window_bounds = array<i64: 1, 1, 768>}, {transform_indices = @transform_3, window_bounds = array<i64: 1, 768, 768>}, {transform_indices = @transform_4, window_bounds = array<i64: 1, 1, 768>}, {transform_indices = @transform_5, window_bounds = array<i64: 512, 768>}]} {
    %get3A = arith.constant 1 : index
    %get3A_0 = arith.index_cast %arg0 : i32 to index
    %get3A_1 = memref.load %arg1[%get3A, %get3A_0] : memref<2x24xi32, #tpu.memory_space<smem>>
    %eq3A = arith.constant 1 : i32
    %eq3A_2 = arith.cmpi eq, %get3A_1, %eq3A : i32
    %convert_element_type3A = arith.extui %eq3A_2 : i1 to i32
    %cond3A = arith.constant 0 : i32
    %cond3A_3 = arith.cmpi ne, %convert_element_type3A, %cond3A : i32
    scf.if %cond3A_3 {
      %get3A_4 = arith.constant 0 : index
      %get3A_5 = arith.constant 0 : index
      %get3A_6 = vector.load %arg2[%get3A_4, %get3A_5] : memref<512x768xf32, #tpu.memory_space<vmem>>, vector<512x768xf32>
      %convert_element_type3A_7 = arith.truncf %get3A_6 : vector<512x768xf32> to vector<512x768xbf16>
      %get3A_8 = arith.constant 0 : index
      %get3A_9 = arith.constant 0 : index
      %get3A_10 = arith.constant 0 : index
      %get3A_11 = vector.load %arg3[%get3A_8, %get3A_9, %get3A_10] : memref<1x768x768xf32, #tpu.memory_space<vmem>>, vector<1x768x768xf32>
      %get3A_12 = vector.shape_cast %get3A_11 : vector<1x768x768xf32> to vector<768x768xf32>
      %convert_element_type3A_13 = arith.truncf %get3A_12 : vector<768x768xf32> to vector<768x768xbf16>
      %dot_general3A = arith.constant dense<0.000000e+00> : vector<512x768xf32>
      %dot_general3A_14 = tpu.matmul %convert_element_type3A_7, %convert_element_type3A_13, %dot_general3A {dimension_numbers = #tpu.dot_dimension_numbers<[1], [0], [0], [1], [0, 0, 1, 1], [], []>, transpose_lhs_hint = false} : vector<512x768xbf16>, vector<768x768xbf16>, vector<512x768xf32> -> vector<512x768xf32>
      %get3A_15 = arith.constant 0 : index
      %get3A_16 = arith.constant 0 : index
      %get3A_17 = arith.constant 0 : index
      %get3A_18 = vector.load %arg4[%get3A_15, %get3A_16, %get3A_17] : memref<1x1x768xf32, #tpu.memory_space<vmem>>, vector<1x1x768xf32>
      %get3A_19 = vector.shape_cast %get3A_18 : vector<1x1x768xf32> to vector<768xf32>
      %broadcast_in_dim3A = vector.shape_cast %get3A_19 : vector<768xf32> to vector<1x768xf32>
      %add3A = vector.broadcast %broadcast_in_dim3A : vector<1x768xf32> to vector<512x768xf32>
      %add3A_20 = arith.addf %dot_general3A_14, %add3A : vector<512x768xf32>
      %max3A = arith.constant 0.000000e+00 : f32
      %max3A_21 = vector.broadcast %max3A : f32 to vector<512x768xf32>
      %max3A_22 = arith.maximumf %add3A_20, %max3A_21 : vector<512x768xf32>
      %convert_element_type3A_23 = arith.truncf %max3A_22 : vector<512x768xf32> to vector<512x768xbf16>
      %get3A_24 = arith.constant 0 : index
      %get3A_25 = arith.constant 0 : index
      %get3A_26 = arith.constant 0 : index
      %get3A_27 = vector.load %arg5[%get3A_24, %get3A_25, %get3A_26] : memref<1x768x768xf32, #tpu.memory_space<vmem>>, vector<1x768x768xf32>
      %get3A_28 = vector.shape_cast %get3A_27 : vector<1x768x768xf32> to vector<768x768xf32>
      %convert_element_type3A_29 = arith.truncf %get3A_28 : vector<768x768xf32> to vector<768x768xbf16>
      %dot_general3A_30 = arith.constant dense<0.000000e+00> : vector<512x768xf32>
      %dot_general3A_31 = tpu.matmul %convert_element_type3A_23, %convert_element_type3A_29, %dot_general3A_30 {dimension_numbers = #tpu.dot_dimension_numbers<[1], [0], [0], [1], [0, 0, 1, 1], [], []>, transpose_lhs_hint = false} : vector<512x768xbf16>, vector<768x768xbf16>, vector<512x768xf32> -> vector<512x768xf32>
      %get3A_32 = arith.constant 0 : index
      %get3A_33 = arith.constant 0 : index
      %get3A_34 = arith.constant 0 : index
      %get3A_35 = vector.load %arg6[%get3A_32, %get3A_33, %get3A_34] : memref<1x1x768xf32, #tpu.memory_space<vmem>>, vector<1x1x768xf32>
      %get3A_36 = vector.shape_cast %get3A_35 : vector<1x1x768xf32> to vector<768xf32>
      %broadcast_in_dim3A_37 = vector.shape_cast %get3A_36 : vector<768xf32> to vector<1x768xf32>
      %add3A_38 = vector.broadcast %broadcast_in_dim3A_37 : vector<1x768xf32> to vector<512x768xf32>
      %add3A_39 = arith.addf %dot_general3A_31, %add3A_38 : vector<512x768xf32>
      %swap3A = arith.constant 0 : index
      %swap3A_40 = arith.constant 0 : index
      %swap3A_41 = vector.load %arg7[%swap3A, %swap3A_40] : memref<512x768xf32, #tpu.memory_space<vmem>>, vector<512x768xf32>
      tpu.vector_store %arg7[%swap3A, %swap3A_40], %add3A_39 {strides = array<i32>} : memref<512x768xf32, #tpu.memory_space<vmem>>, vector<512x768xf32>,
    } else {
    }
    return
  }
  func.func @transform_0(%arg0: i32, %arg1: memref<2x24xi32, #tpu.memory_space<smem>>) -> (i32, i32) {
    %c0_i32 = arith.constant 0 : i32
    %c0_i32_0 = arith.constant 0 : i32
    return %arg0, %c0_i32 : i32, i32
  }
  func.func @transform_1(%arg0: i32, %arg1: memref<2x24xi32, #tpu.memory_space<smem>>) -> (i32, i32, i32) {
    %get3A = arith.constant 0 : index
    %get3A_0 = arith.index_cast %arg0 : i32 to index
    %get3A_1 = memref.load %arg1[%get3A, %get3A_0] : memref<2x24xi32, #tpu.memory_space<smem>>
    %c0_i32 = arith.constant 0 : i32
    %c0_i32_2 = arith.constant 0 : i32
    %c0_i32_3 = arith.constant 0 : i32
    return %get3A_1, %c0_i32, %c0_i32_2 : i32, i32, i32
  }
  func.func @transform_2(%arg0: i32, %arg1: memref<2x24xi32, #tpu.memory_space<smem>>) -> (i32, i32, i32) {
    %get3A = arith.constant 0 : index
    %get3A_0 = arith.index_cast %arg0 : i32 to index
    %get3A_1 = memref.load %arg1[%get3A, %get3A_0] : memref<2x24xi32, #tpu.memory_space<smem>>
    %c0_i32 = arith.constant 0 : i32
    %c0_i32_2 = arith.constant 0 : i32
    %c0_i32_3 = arith.constant 0 : i32
    return %get3A_1, %c0_i32, %c0_i32_2 : i32, i32, i32
  }
  func.func @transform_3(%arg0: i32, %arg1: memref<2x24xi32, #tpu.memory_space<smem>>) -> (i32, i32, i32) {
    %get3A = arith.constant 0 : index
    %get3A_0 = arith.index_cast %arg0 : i32 to index
    %get3A_1 = memref.load %arg1[%get3A, %get3A_0] : memref<2x24xi32, #tpu.memory_space<smem>>
    %c0_i32 = arith.constant 0 : i32
    %c0_i32_2 = arith.constant 0 : i32
    %c0_i32_3 = arith.constant 0 : i32
    return %get3A_1, %c0_i32, %c0_i32_2 : i32, i32, i32
  }
  func.func @transform_4(%arg0: i32, %arg1: memref<2x24xi32, #tpu.memory_space<smem>>) -> (i32, i32, i32) {
    %get3A = arith.constant 0 : index
    %get3A_0 = arith.index_cast %arg0 : i32 to index
    %get3A_1 = memref.load %arg1[%get3A, %get3A_0] : memref<2x24xi32, #tpu.memory_space<smem>>
    %c0_i32 = arith.constant 0 : i32
    %c0_i32_2 = arith.constant 0 : i32
    %c0_i32_3 = arith.constant 0 : i32
    return %get3A_1, %c0_i32, %c0_i32_2 : i32, i32, i32
  }
  func.func @transform_5(%arg0: i32, %arg1: memref<2x24xi32, #tpu.memory_space<smem>>) -> (i32, i32) {
    %c0_i32 = arith.constant 0 : i32
    %c0_i32_0 = arith.constant 0 : i32
    return %arg0, %c0_i32 : i32, i32
  }
}

</mosaic_0001>

<sc_bundles>
// kernel: gather_offload_async_start
scs
__scs_entry_jumppad:
0x0: {  	(pc) =	sbr.rel $0x88, $3  }
0x1: {  	(tag) =	ssettag $0x0;
	lr =	simm.s32 $0x1  }
0x2: {  	[smem:$0x3F9A] =	sst lr;
	_ =	strace $0xD0000000  }
0x3: {  	_ = 	snop  }
0x4: {  	_ = 	snop  }
0x5: {  	_ = 	snop  }
0x6: {  	_ = 	snop  }
0x7: {  	_ = 	snop  }
__scs_overlays_trampoline_lowered:
0x8: {  	[smem:$0x3FA9] =	sst s0  }
0x9: {  	[smem:$0x3FAA] =	sst s1  }
0xa: {  	[smem:$0x3FAB] =	sst s2  }
0xb: {  	[smem:$0x3FAC] =	sst s3  }
0xc: {  	[smem:$0x3FAD] =	sst s4  }
0xd: {  	[smem:$0x3FAE] =	sst s5  }
0xe: {  	[smem:$0x3FAF] =	sst s6  }
0xf: {  	[smem:$0x3FB0] =	sst s7  }
0x10: {  	[smem:$0x3FB1] =	sst s8  }
0x11: {  	[smem:$0x3FB2] =	sst s9;
	s0 =	simm.s32 @!p0 $0x0  }
0x12: {  	s1 =	sld [smem:$0x3F98];
	s0 =	simm.s32 @p0 $0x1  }
0x13: {  	[smem:$0x3FB3] =	sst s0;
	s0 =	simm.s32 @!p1 $0x0  }
0x14: {  	s2 =	sld [smem:$0x3F97];
	s0 =	simm.s32 @p1 $0x1  }
0x15: {  	[smem:$0x3FB4] =	sst s0;
	s0 =	simm.s32 @!p2 $0x0  }
0x16: {  	s3 =	sld [smem:$0x3FDB];
	s0 =	simm.s32 @p2 $0x1  }
0x17: {  	s4 =	simm.s32 $0x1BF5;
	[smem:$0x3FB6] =	sst s0  }
0x18: {  	s0 =	sld [smem:$0x3F99];
	_ =	swait.ge [sflag:s4], $0x0  }
0x19: {  	s7 =	sld [smem:$0x3F9A]  }
0x1a: {  	s8 =	sadd.s32 $0xFFFFE003, lr  }
0x1b: {  	s9 =	sadd.s32 $0xFFFFFEF7, lr;
	s5 =	simm.s32 $0xFFFFFFFF;
	p2 =	slt.u32 s8, $0xFFFFF086  }
0x1c: {  	p1 =	slt.u32 s9, $0xF7A;
	s5 =	simm.s32 @!p2 $0x0  }
0x1d: {  	s5 =	simm.s32 @p1 $0x1;
	p0 =	seq.s32 s7, s2  }
0x1e: {  	s7 =	smul.u32 @!p0 $0xF7A, s2;
	p2 =	seq.s32 @!p0 s5, $0x0  }
0x1f: {  	s9 =	smul.u32 $0xF7A, s1;
	s8 =	simm.s32 @!p0 $0x1BF5;
	p2 =	por !p2, p0  }
0x20: {  	[sflag:s8] =	ssyncset.s32 @!p0 $0xFFFFF086;
	s6 =	sadd.s32 @!p0 s3, s7;
	s7 =	simm.s32 @!p0 $0x108  }
0x21: {  	s3 =	sadd.s32 s3, s9;
	s6 =	sadd.s32 @!p0 $0x88, s6;
	s7 =	simm.s32 @p2 $0x1082  }
0x22: {  	[simem:s7], [sflag:s8] =	dma.local @!p0 [hbm:s6], $0xF7A  }
0x23: {  	s9 =	sor.u32 $0xD0000000, s2;
	s6 =	simm.s32 $0x108;
	_ =	swait.ge @!p0 [sflag:s8], $0x0  }
0x24: {  	s3 =	sadd.s32 $0x88, s3;
	s6 =	simm.s32 @!p1 $0x1082;
	[sflag:s4] =	ssyncset.s32 $0xFFFFF086  }
0x25: {  	[simem:s6], [sflag:s4] =	dma.local [hbm:s3], $0xF7A  }
0x26: {  	[smem:$0x3F9A] =	sst s1;
	(tag) =	ssettag s2;
	_ =	strace s9  }
0x27: {  	s1 =	sld [smem:$0x3FAA]  }
0x28: {  	s2 =	sld [smem:$0x3FAB]  }
0x29: {  	s4 =	sld [smem:$0x3FAD]  }
0x2a: {  	p0 =	seq.s32 s5, $0x0;
	s5 =	sld [smem:$0x3FAE]  }
0x2b: {  	s6 =	sld [smem:$0x3FAF]  }
0x2c: {  	s7 =	sld [smem:$0x3FB0]  }
0x2d: {  	s3 =	simm.s32 $0x108;
	s8 =	sld [smem:$0x3FB1]  }
0x2e: {  	s3 =	simm.s32 @!p0 $0x1082;
	s9 =	sld [smem:$0x3FB2]  }
0x2f: {  	lr =	sadd.s32 s0, s3;
	s0 =	sld [smem:$0x3FA9]  }
0x30: {  	s3 =	sld [smem:$0x3FAC]  }
0x31: {  	[smem:$0x3FB5] =	sst s10  }
0x32: {  	s10 =	sld [smem:$0x3FB3];
	_ =	sdelay $0x3  }
0x33: {  	p0 =	seq.s32 s10, $0x1;
	s10 =	sld [smem:$0x3FB5];
	_ =	sdelay $0x3  }
0x34: {  	[smem:$0x3FB5] =	sst s10  }
0x35: {  	s10 =	sld [smem:$0x3FB4];
	_ =	sdelay $0x3  }
0x36: {  	p1 =	seq.s32 s10, $0x1;
	s10 =	sld [smem:$0x3FB5];
	_ =	sdelay $0x3  }
0x37: {  	[smem:$0x3FB5] =	sst s10  }
0x38: {  	s10 =	sld [smem:$0x3FB6]  }
0x39: {  	_ = 	snop;
	(pc) =	sbr.ind lr, $3  }
0x3a: {  	_ = 	snop  }
0x3b: {  	_ = 	snop  }
0x3c: {  	p2 =	seq.s32 s10, $0x1;
	s10 =	sld [smem:$0x3FB5]  }
0x3d: {  	_ =	shalt  }
0x3e: {  	_ =	shalt  }
0x3f: {  	_ =	shalt  }
0x40: {  	_ =	shalt  }
0x41: {  	_ =	shalt  }
0x42: {  	_ =	shalt  }
0x43: {  	_ =	shalt  }
0x44: {  	_ =	shalt  }
0x45: {  	_ =	shalt  }
0x46: {  	_ =	shalt  }
0x47: {  	_ =	shalt  }
0x48: {  	_ =	shalt  }
0x49: {  	_ =	shalt  }
0x4a: {  	_ =	shalt  }
0x4b: {  	_ =	shalt  }
0x4c: {  	_ =	shalt  }
0x4d: {  	_ =	shalt  }
0x4e: {  	_ =	shalt  }
0x4f: {  	_ =	shalt  }
0x50: {  	_ =	shalt  }
0x51: {  	_ =	shalt  }
0x52: {  	_ =	shalt  }
0x53: {  	_ =	shalt  }
0x54: {  	_ =	shalt  }
0x55: {  	_ =	shalt  }
0x56: {  	_ =	shalt  }
0x57: {  	_ =	shalt  }
0x58: {  	_ =	shalt  }
0x59: {  	_ =	shalt  }
0x5a: {  	_ =	shalt  }
0x5b: {  	_ =	shalt  }
0x5c: {  	_ =	shalt  }
0x5d: {  	_ =	shalt  }
0x5e: {  	_ =	shalt  }
0x5f: {  	_ =	shalt  }
0x60: {  	_ =	shalt  }
0x61: {  	_ =	shalt  }
0x62: {  	_ =	shalt  }
0x63: {  	_ =	shalt  }
0x64: {  	_ =	shalt  }
0x65: {  	_ =	shalt  }
0x66: {  	_ =	shalt  }
0x67: {  	_ =	shalt  }
0x68: {  	_ =	shalt  }
0x69: {  	_ =	shalt  }
0x6a: {  	_ =	shalt  }
0x6b: {  	_ =	shalt  }
0x6c: {  	_ =	shalt  }
0x6d: {  	_ =	shalt  }
0x6e: {  	_ =	shalt  }
0x6f: {  	_ =	shalt  }
0x70: {  	_ =	shalt  }
0x71: {  	_ =	shalt  }
0x72: {  	_ =	shalt  }
0x73: {  	_ =	shalt  }
0x74: {  	_ =	shalt  }
0x75: {  	_ =	shalt  }
0x76: {  	_ =	shalt  }
0x77: {  	_ =	shalt  }
0x78: {  	_ =	shalt  }
0x79: {  	_ =	shalt  }
0x7a: {  	_ =	shalt  }
0x7b: {  	_ =	shalt  }
0x7c: {  	_ =	shalt  }
0x7d: {  	_ =	shalt  }
0x7e: {  	_ =	shalt  }
0x7f: {  	_ =	shalt  }
0x80: {  	_ =	shalt  }
0x81: {  	_ =	shalt  }
0x82: {  	_ =	shalt  }
0x83: {  	_ =	shalt  }
0x84: {  	_ =	shalt  }
0x85: {  	_ =	shalt  }
0x86: {  	_ =	shalt  }
0x87: {  	_ =	shalt  }
.Lfunc_end0:
.L_simem_size_0:
called_computation_lowered:
.L_overlay_start_0:
0x88: {  	s2 =	sld [smem:$0x3FD9]  }
0x89: {  	s3 =	sld [smem:$0x3FFE];
	_ =	sdelay $0x1  }
0x8a: {  	s1 =	srdreg.scid  }
0x8b: {  	s0 =	sand.u32 $0x1, s1  }
0x8c: {  	s14 =	sshll.u32 s0, $0xA;
	s2 =	sadd.s32 s3, s2  }
0x8d: {  	s2 =	sadd.s32 s2, s14  }
0x8e: {  	[smem:$0x3FC1] =	sst s2  }
0x8f: {  	_ = 	snop  }
0x90: {  	s2 =	sld [smem:$0x3FD0];
	_ =	sdelay $0x2  }
0x91: {  	s15 =	simm.s32 $0xA;
	s4 =	simm.s32 $0x10  }
0x92: {  	[smem:s4], [sflag:s15] =	dma.local [hbm:s2], $0x1  }
0x93: {  	_ =	swait.eq [sflag:s15], $0x1  }
0x94: {  	[sflag:s15] =	ssyncset.done $0x0  }
0x95: {  	s16 =	sld [smem:$0x10];
	[sflag:s15] =	ssyncadd.s32 $0xFFFFFFFF  }
0x96: {  	s17 =	sld [smem:$0x11];
	(tm) =	ssettm $0x1  }
0x97: {  	s18 =	sld [smem:$0x3FFB];
	_ =	sdelay $0x3  }
0x98: {  	_ =	strace s18  }
0x99: {  	s4 =	sld [smem:$0x3FFC];
	_ =	sdelay $0x3  }
0x9a: {  	_ =	strace s4  }
0x9b: {  	s4 =	sld [smem:$0x3FFD];
	_ =	sdelay $0x3  }
0x9c: {  	_ =	strace s4  }
0x9d: {  	_ =	strace $0x8FFFFFFF  }
0x9e: {  	s19 =	sld [smem:$0x3FDB];
	_ =	sdelay $0x1  }
0x9f: {  	s5 =	simm.s32 $_scs_section_size  }
0xa0: {  	s6 =	simm.s32 $_size__tile_overlayer_lowered;
	s7 =	simm.s32 $_tile_overlayer_lowered  }
0xa1: {  	s22 =	simm.s32 $0x1BFF;
	s21 =	sshll.u32 s7, $0x1;
	s4 =	sadd.s32 s5, s19  }
0xa2: {  	s8 =	simm.s32 $0x0;
	s20 =	sshll.u32 s6, $0x1;
	s6 =	sadd.s32 s21, s4  }
0xa3: {  	[timem:s8], [sflag:s22] =	dma.local [hbm:s6], s20  }
0xa4: {  	_ =	swait.ge [sflag:s22], s20  }
0xa5: {  	s5 =	ssub.s32 $0x0, s20;
	[sflag:s22] =	ssyncset.done $0x0  }
0xa6: {  	[sflag:s22] =	ssyncadd.s32 s5;
	_ =	sdelay $0x1  }
0xa7: {  	s23 =	simm.s32 $0x1B8B  }
0xa8: {  	_ =	swait.ge [sflag:s23], $0x1  }
0xa9: {  	[sflag:s23] =	ssyncset.done $0x0  }
0xaa: {  	s25 =	simm.s32 $0x1B8E;
	s24 =	sld [smem:$0x3FFE];
	[sflag:s23] =	ssyncadd.s32 $0xFFFFFFFF  }
0xab: {  	s26 =	simm.s32 $execute0_lowered;
	[smem:$0x3FD2] =	sst s25  }
0xac: {  	s6 =	sshll.u32 s26, $0x1;
	_ =	strace $0x80000046;
	[dreg:$0x1] =	wrdreg $0xFFFFFFFF  }
0xad: {  	s28 =	simm.s32 $_size_execute0_lowered;
	s4 =	sadd.s32 s4, s6;
	[dreg:$0x0] =	wrdreg $0x0  }
0xae: {  	s6 =	sshll.u32 s28, $0x1;
	[dreg:$0x2] =	wrdreg s4  }
0xaf: {  	[dreg:$0x3] =	wrdreg s6  }
0xb0: {  	[dreg:$0x4] =	wrdreg $0xC0  }
0xb1: {  	_ =	task [dreg:s8], $0x5FFFF  }
0xb2: {  	[dreg:$0x1] =	wrdreg $0xFFFFFFFF  }
0xb3: {  	[dreg:$0x0] =	wrdreg $0x60  }
0xb4: {  	[dreg:$0x2] =	wrdreg s16  }
0xb5: {  	[dreg:$0x3] =	wrdreg s17  }
0xb6: {  	[dreg:$0x4] =	wrdreg s24  }
0xb7: {  	[dreg:$0x5] =	wrdreg $0x9  }
0xb8: {  	_ =	task.clear_ibuf [dreg:s8], $0x6FFFF;
	_ =	strace $0x90000046  }
0xb9: {  	s29 =	simm.s32 $0x9;
	_ =	strace $0x80000048  }
0xba: {  	_ =	swait.ge [sflag:s29], $0x1  }
0xbb: {  	[sflag:s29] =	ssyncadd.s32 $0xFFFFFFFF  }
0xbc: {  	_ =	strace $0x90000048  }
0xbd: {  	_ =	sfence  }
0xbe: {  	s30 =	sld [smem:$0x0];
	_ =	sdelay $0x2  }
0xbf: {  	s31 =	sshll.u32 s1, $0xD;
	s1 =	sshrl.u32 s1, $0x2  }
0xc0: {  	s3 =	sand.u32 $0x4000, s31;
	s1 =	sadd.s32 s1, s30  }
0xc1: {  	s0 =	sor.u32 s3, s0;
	s1 =	sshll.u32 s1, $0x11  }
0xc2: {  	s0 =	sor.u32 s1, s0  }
0xc3: {  	s0 =	sadd.s32 $0x8F2B, s0  }
0xc4: {  	[sflag:s0] =	ssyncadd.remote.s32 $0x1  }
0xc5: {  	_ =	sfence.sel $0xFFFF  }
0xc6: {  	[dreg:$0x0] =	wrdreg $0xFFFFFFFF;
	(pc) =	sbr.abs _section_cstart, $3  }
0xc7: {  	[dreg:$0x1] =	wrdreg $0xFFFFFFFF  }
0xc8: {  	_ =	task.clear_ibuf [dreg:s8], $0x2FFFF;
	_ =	strace $0x9FFFFFFF  }
0xc9: {  	(tm) =	ssettm $0x7FFFFFFF  }
tec
execute0_lowered:
.L_overlay_start_1:
0x0: {  	(tag) =	ssettag $0x1  }
0x1: {  	s2 =	rddreg [dreg:$0x0]  }
0x2: {  	s1 =	srdreg.scid;
	s3 =	rddreg [dreg:$0x1]  }
0x3: {  	s0 =	stileid.u32;
	s5 =	rddreg [dreg:$0x2]  }
0x4: {  	s9 =	simm.s32 $0x1;
	s10 =	simm.s32 $0x3;
	s1 =	sshll.u32 s1, $0x7  }
0x5: {  	s13 =	simm.s32 $0x0;
	s4 =	sshll.u32 s0, $0x8;
	s6 =	sand.u32 $0x80, s1  }
0x6: {  	s12 =	simm.s32 $0x0;
	s5 =	sadd.s32 $0x20000, s5;
	s4 =	sor.u32 s4, s6  }
0x7: {  	s1 =	rddreg [dreg:$0x3];
	_ =	strace $0x80000047;
	s8 =	ssub.s32 $0x2000, s4  }
.Ltmp0:
0x8: {  	s6 =	simm.s32 $0x1;
	s7 =	sand.u32 $0xF80, s8;
	(pc) =	sbr.rel .LBB2_1-.Ltmp0, $4  }
0x9: {  	[sflag:s6] =	ssyncpa.u1 $0x0;
	s11 =	smov.u32 s4;
	p0 =	sne.s32 s7, $0x0  }
0xa: {  	s8 =	sshrl.u32 s8, $0xC;
	s7 =	simm.s32 $0x2;
	s9 =	simm.s32 @!p0 $0x0  }
0xb: {  	[sflag:s7] =	ssyncpa.u1 $0x0;
	p0 =	por $0x0, $0x0;
	s8 =	sadd.s32 s9, s8  }
0xc: {  	vm0 =	vmmov $0xffff;
	[sflag:s10] =	ssyncpa.u1 $0x0;
	s10 =	simm.s32 $0x0;
	s9 =	sadd.s32 $0x1, s8  }
.LBB2_4:
0xd: {  	v5 =	vshrl.u32 v1, $0xD;
	v6 =	vshll.u32 v1, $0x7  }
0xe: {  	vm1 =	veq.s32 v1, $0x80000000;
	v58 =	vand.u32 $0x7, v5;
	v59 =	vand.u32 $0xFFF80, v6  }
0xf: {  	v1 =	vsel vm1, $0xFFFFFFFF, v58;
	v5 =	vsel vm1, $0xFFFFFF80, v59  }
0x10: {  	v3 =	vor.u32 v4, v3;
	v60 =	vand.u32 $0xFFFFFC00, v5;
	v61 =	vand.u32 $0xFFFFFC00, v1  }
0x11: {  	v2 =	vor.u32 v2, v3;
	v63 =	vand.u32 $0x380, v5;
	v62 =	vadd.s32 v61, v60  }
0x12: {  	v1 =	vand.u32 $0x7F, v1;
	v3 =	vor.u32 v63, v62  }
0x13: {  	v1 =	vor.u32 v1, v3  }
0x14: {  	[tilespmem:s15], [sflag:$0x1] =	stream.indirect_vreg.gather [hbm4b:s2+s10], $0x1, v0, vm0, $0x4038;
	[tilespmem:$0x200] =	vst v63  }
0x15: {  	(ifvalue) =	ssetifvalue $0x7FFFFFFF  }
0x16: {  	[tilespmem:s16], [sflag:$0x1] =	stream.indirect_vreg.gather [hbm4b:s2+s10], $0x1, v2, vm0, $0x4038;
	[tilespmem:$0x200] =	vst v63  }
0x17: {  	s29 =	sadd.s32 $0x10, s16;
	(ifvalue) =	ssetifvalue $0x7FFFFFFF  }
0x18: {  	[tilespmem:s29], [sflag:$0x1] =	stream.indirect_vreg.gather [hbm4b:s2+s10], $0x1, v1, vm0, $0x4038;
	[tilespmem:$0x200] =	vst v63  }
0x19: {  	_ =	swait.ge [sflag:s6], $0x80  }
0x1a: {  	s30 =	sshrl.u32 s13, $0x3;
	[sflag:s6] =	ssyncset.done $0x0  }
0x1b: {  	s31 =	sand.u32 $0x7, s13;
	s15 =	sadd.s32 s5, s30;
	[sflag:s6] =	ssyncadd.s32 $0xFFFFFF80  }
0x1c: {  	[hbm4b:s15+s31] =	stream.linear.scatter [tilespmem:s14], [sflag:$0x3], $0x80, $0x38;
	[tilespmem:$0x200] =	vst v63  }
.LBB2_5:
0x1d: {  	s15 =	sadd.s32 $0x1000, s11  }
0x1e: {  	p2 =	sgt.s32 s15, $0x1FFF  }
0x1f: {  	s15 =	smov.u32 @p2 s4;
	p2 =	sne.s32 s12, s9  }
.Ltmp1:
0x20: {  	p1 =	slt.u32 s12, $0x2;
	(pc) =	sbr.rel @!p2 .LBB2_6-.Ltmp1, $4  }
0x21: {  	s14 =	simm.s32 @!p1 $0x3  }
0x22: {  	s16 =	sadd.s32 $0x1, s12;
	_ =	swait.ge @!p1 [sflag:s14], $0x80  }
0x23: {  	s13 =	smov.u32 s11;
	p0 =	por !p0, !p0;
	[sflag:s14] =	ssyncset.done @!p1 $0x0  }
0x24: {  	s12 =	smov.u32 s16;
	s11 =	smov.u32 s15;
	[sflag:s14] =	ssyncadd.s32 @!p1 $0xFFFFFF80  }
.LBB2_1:
0x25: {  	p1 =	sge.u32 s12, s8  }
0x26: {  	s14 =	sxor.u32 @!p1 $0xFFFFFFFF, s12  }
0x27: {  	s31 =	sadd.s32 $0xFFFFFFFF, s12;
	s15 =	sshrl.u32 @!p1 s11, $0x3;
	s14 =	sshll.u32 @!p1 s14, $0x7  }
0x28: {  	s16 =	sand.u32 @!p1 $0x7, s11;
	s15 =	sadd.s32 @!p1 s3, s15;
	s14 =	sand.u32 @!p1 $0x80, s14  }
0x29: {  	[tilespmem:s14], [sflag:$0x2] =	stream.linear.gather @!p1 [hbm4b:s15+s16], $0x80, $0x38;
	[tilespmem:$0x200] =	vst v63  }
0x2a: {  	p1 =	sge.u32 s31, s8  }
.Ltmp2:
0x2b: {  	_ = 	snop;
	(pc) =	sbr.rel @p1 .LBB2_5-.Ltmp2, $1  }
0x2c: {  	_ =	sdelay $0x3  }
0x2d: {  	s14 =	simm.s32 $0x1  }
0x2e: {  	_ =	swait.ge [sflag:s7], $0x80;
	s14 =	simm.s32 @!p0 $0x0  }
0x2f: {  	[sflag:s7] =	ssyncset.done $0x0;
	s14 =	sshll.u32 s14, $0x7  }
0x30: {  	[sflag:s7] =	ssyncadd.s32 $0xFFFFFF80;
	(ifvalue) =	ssetifvalue $0x7FFFFFFF;
	v0 =	vld.msk [tilespmem:s14+$0x0 ss:$0x1], $0xffff;
	_ =	sdelay $0x4  }
0x31: {  	s15 =	sadd.s32 $0x10, s14;
	v2 =	vshrl.u32 v0, $0xD;
	v3 =	vshll.u32 v0, $0x7  }
0x32: {  	v1 =	vld.msk [tilespmem:s15+$0x0 ss:$0x1], $0xffff;
	vm1 =	veq.s32 v0, $0x80000000;
	v0 =	vand.u32 $0x7, v2;
	v2 =	vand.u32 $0xFFF80, v3  }
0x33: {  	v0 =	vsel vm1, $0xFFFFFFFF, v0;
	v2 =	vsel vm1, $0xFFFFFF80, v2  }
0x34: {  	v3 =	vand.u32 $0xFFFFFC00, v2;
	v4 =	vand.u32 $0xFFFFFC00, v0  }
0x35: {  	v2 =	vand.u32 $0x380, v2;
	v3 =	vadd.s32 v4, v3  }
0x36: {  	v0 =	vand.u32 $0x7F, v0;
	v2 =	vor.u32 v2, v3  }
0x37: {  	v5 =	vshll.u32 v1, $0x7;
	v4 =	vshrl.u32 v1, $0xD;
	v0 =	vor.u32 v0, v2  }
0x38: {  	s16 =	sshll.u32 s12, $0x7;
	vm1 =	veq.s32 v1, $0x80000000;
	v1 =	vand.u32 $0x7, v4;
	v4 =	vand.u32 $0xFFF80, v5  }
0x39: {  	s16 =	sand.u32 $0x80, s16;
	s18 =	sadd.s32 $0x10, s15;
	v3 =	vsel vm1, $0xFFFFFFFF, v1;
	v4 =	vsel vm1, $0xFFFFFF80, v4  }
0x3a: {  	s17 =	simm.s32 $0x20;
	s15 =	sor.u32 $0x100, s14;
	s14 =	sor.u32 $0x100, s16;
	v1 =	vld.msk [tilespmem:s18+$0x0 ss:$0x1], $0xffff;
	v5 =	vand.u32 $0xFFFFFC00, v4;
	v6 =	vand.u32 $0xFFFFFC00, v3  }
0x3b: {  	s16 =	sadd.s32 $0x10, s15;
	s18 =	sadd.s32 $0x10, s18;
	(ifvalue) =	ssetifvalue $0x7FFFFFFF;
	v2 =	vand.u32 $0x7F, v3;
	v4 =	vand.u32 $0x380, v4;
	v3 =	vadd.s32 v6, v5  }
.LBB2_3:
0x3c: {  	[tilespmem:s15], [sflag:$0x1] =	stream.indirect_vreg.gather [hbm4b:s2+s10], $0x1, v0, vm0, $0x4038;
	[tilespmem:$0x200] =	vst v63  }
0x3d: {  	s17 =	sadd.s32 $0x10, s17  }
0x3e: {  	v3 =	vor.u32 v4, v3;
	p1 =	slt.u32 s17, $0x70  }
.Ltmp3:
0x3f: {  	v4 =	vshrl.u32 v1, $0xD;
	v5 =	vshll.u32 v1, $0x7;
	s15 =	smov.u32 s16;
	v0 =	vor.u32 v2, v3;
	v2 =	vmovc v1;
	v1 =	vld.msk [tilespmem:s18+$0x0 ss:$0x1], $0xffff;
	(pc) =	sbr.rel @p1 .LBB2_3-.Ltmp3, $4  }
0x40: {  	v3 =	vand.u32 $0xFFF80, v5;
	vm1 =	veq.s32 v2, $0x80000000;
	v2 =	vand.u32 $0x7, v4  }
0x41: {  	v4 =	vsel vm1, $0xFFFFFFFF, v2;
	v5 =	vsel vm1, $0xFFFFFF80, v3  }
0x42: {  	v2 =	vand.u32 $0x7F, v4;
	v3 =	vand.u32 $0xFFFFFC00, v5;
	v4 =	vand.u32 $0xFFFFFC00, v4  }
0x43: {  	s16 =	sadd.s32 $0x10, s16;
	s18 =	sadd.s32 $0x10, s18;
	v3 =	vadd.s32 v4, v3;
	v4 =	vand.u32 $0x380, v5;
	(ifvalue) =	ssetifvalue $0x7FFFFFFF  }
.Ltmp4:
0x44: {  	_ = 	snop;
	(pc) =	sbr.rel .LBB2_4-.Ltmp4, $1  }
0x45: {  	_ =	sdelay $0x3  }
.LBB2_6:
0x46: {  	_ =	sfence.sel $0x180000  }
0x47: {  	s2 =	simm.s32 $0x2;
	[bflag:$0x0] =	sbarrier.arrive $0xFFFF  }
0x48: {  	s30 =	simm.s32 $0x3;
	[sflag:s2] =	ssyncpa.u1 $0x1  }
0x49: {  	s31 =	simm.s32 $0x1;
	[sflag:s30] =	ssyncpa.u1 $0x1  }
0x4a: {  	[sflag:s31] =	ssyncpa.u1 $0x1  }
0x4b: {  	p0 =	sne.s32 s0, $0x0;
	_ =	strace $0x90000047  }
0x4c: {  	s0 =	sadd.s32 @!p0 $0x100000, s1;
	[bflag:$0x2] =	sbarrier.arrive $0xFFFF  }
0x4d: {  	[sflag:s0] =	ssyncadd.tile.s32 @!p0 $0x1;
	_ =	shalt  }
.Lfunc_end2:
_tile_overlayer_lowered:
.L_overlay_start_2:
0x4e: {  	(tag) =	ssettag $0x2  }
0x4f: {  	s0 =	rddreg [dreg:$0x0];
	s2 =	stileid.u32  }
0x50: {  	s1 =	rddreg [dreg:$0x1];
	p0 =	sne.s32 s2, $0x0  }
0x51: {  	s3 =	rddreg [dreg:$0x2];
	[bflag:$0x3] =	sbarrier.arrive $0xFFFF;
	s2 =	simm.s32 @!p0 $0x1C01  }
0x52: {  	[timem:s3], [sflag:s2] =	dma.local @!p0 [hbm:s0], s1  }
0x53: {  	s0 =	simm.s32 @!p0 $0x1  }
0x54: {  	_ =	swait.ge @!p0 [sflag:s0], s1  }
0x55: {  	s1 =	ssub.s32 @!p0 $0x0, s1;
	[sflag:s0] =	ssyncset.done @!p0 $0x0  }
0x56: {  	[sflag:s0] =	ssyncadd.s32 @!p0 s1  }
0x57: {  	[bflag:$0x3] =	sbarrier.arrive $0xFFFF  }
0x58: {  	_ =	shalt  }

// kernel: kernel.6.cloned.1.call-start
scs
__scs_entry_jumppad:
0x0: {  	(pc) =	sbr.rel $0x88, $3  }
0x1: {  	(tag) =	ssettag $0x0;
	lr =	simm.s32 $0x1  }
0x2: {  	[smem:$0x3F9A] =	sst lr;
	_ =	strace $0xD0000000  }
0x3: {  	_ = 	snop  }
0x4: {  	_ = 	snop  }
0x5: {  	_ = 	snop  }
0x6: {  	_ = 	snop  }
0x7: {  	_ = 	snop  }
__scs_overlays_trampoline_lowered:
0x8: {  	[smem:$0x3FA9] =	sst s0  }
0x9: {  	[smem:$0x3FAA] =	sst s1  }
0xa: {  	[smem:$0x3FAB] =	sst s2  }
0xb: {  	[smem:$0x3FAC] =	sst s3  }
0xc: {  	[smem:$0x3FAD] =	sst s4  }
0xd: {  	[smem:$0x3FAE] =	sst s5  }
0xe: {  	[smem:$0x3FAF] =	sst s6  }
0xf: {  	[smem:$0x3FB0] =	sst s7  }
0x10: {  	[smem:$0x3FB1] =	sst s8  }
0x11: {  	[smem:$0x3FB2] =	sst s9;
	s0 =	simm.s32 @!p0 $0x0  }
0x12: {  	s1 =	sld [smem:$0x3F98];
	s0 =	simm.s32 @p0 $0x1  }
0x13: {  	[smem:$0x3FB3] =	sst s0;
	s0 =	simm.s32 @!p1 $0x0  }
0x14: {  	s2 =	sld [smem:$0x3F97];
	s0 =	simm.s32 @p1 $0x1  }
0x15: {  	[smem:$0x3FB4] =	sst s0;
	s0 =	simm.s32 @!p2 $0x0  }
0x16: {  	s3 =	sld [smem:$0x3FDB];
	s0 =	simm.s32 @p2 $0x1  }
0x17: {  	s4 =	simm.s32 $0x1BF5;
	[smem:$0x3FB6] =	sst s0  }
0x18: {  	s0 =	sld [smem:$0x3F99];
	_ =	swait.ge [sflag:s4], $0x0  }
0x19: {  	s7 =	sld [smem:$0x3F9A]  }
0x1a: {  	s8 =	sadd.s32 $0xFFFFE003, lr  }
0x1b: {  	s9 =	sadd.s32 $0xFFFFFEF7, lr;
	s5 =	simm.s32 $0xFFFFFFFF;
	p2 =	slt.u32 s8, $0xFFFFF086  }
0x1c: {  	p1 =	slt.u32 s9, $0xF7A;
	s5 =	simm.s32 @!p2 $0x0  }
0x1d: {  	s5 =	simm.s32 @p1 $0x1;
	p0 =	seq.s32 s7, s2  }
0x1e: {  	s7 =	smul.u32 @!p0 $0xF7A, s2;
	p2 =	seq.s32 @!p0 s5, $0x0  }
0x1f: {  	s9 =	smul.u32 $0xF7A, s1;
	s8 =	simm.s32 @!p0 $0x1BF5;
	p2 =	por !p2, p0  }
0x20: {  	[sflag:s8] =	ssyncset.s32 @!p0 $0xFFFFF086;
	s6 =	sadd.s32 @!p0 s3, s7;
	s7 =	simm.s32 @!p0 $0x108  }
0x21: {  	s3 =	sadd.s32 s3, s9;
	s6 =	sadd.s32 @!p0 $0x88, s6;
	s7 =	simm.s32 @p2 $0x1082  }
0x22: {  	[simem:s7], [sflag:s8] =	dma.local @!p0 [hbm:s6], $0xF7A  }
0x23: {  	s9 =	sor.u32 $0xD0000000, s2;
	s6 =	simm.s32 $0x108;
	_ =	swait.ge @!p0 [sflag:s8], $0x0  }
0x24: {  	s3 =	sadd.s32 $0x88, s3;
	s6 =	simm.s32 @!p1 $0x1082;
	[sflag:s4] =	ssyncset.s32 $0xFFFFF086  }
0x25: {  	[simem:s6], [sflag:s4] =	dma.local [hbm:s3], $0xF7A  }
0x26: {  	[smem:$0x3F9A] =	sst s1;
	(tag) =	ssettag s2;
	_ =	strace s9  }
0x27: {  	s1 =	sld [smem:$0x3FAA]  }
0x28: {  	s2 =	sld [smem:$0x3FAB]  }
0x29: {  	s4 =	sld [smem:$0x3FAD]  }
0x2a: {  	p0 =	seq.s32 s5, $0x0;
	s5 =	sld [smem:$0x3FAE]  }
0x2b: {  	s6 =	sld [smem:$0x3FAF]  }
0x2c: {  	s7 =	sld [smem:$0x3FB0]  }
0x2d: {  	s3 =	simm.s32 $0x108;
	s8 =	sld [smem:$0x3FB1]  }
0x2e: {  	s3 =	simm.s32 @!p0 $0x1082;
	s9 =	sld [smem:$0x3FB2]  }
0x2f: {  	lr =	sadd.s32 s0, s3;
	s0 =	sld [smem:$0x3FA9]  }
0x30: {  	s3 =	sld [smem:$0x3FAC]  }
0x31: {  	[smem:$0x3FB5] =	sst s10  }
0x32: {  	s10 =	sld [smem:$0x3FB3];
	_ =	sdelay $0x3  }
0x33: {  	p0 =	seq.s32 s10, $0x1;
	s10 =	sld [smem:$0x3FB5];
	_ =	sdelay $0x3  }
0x34: {  	[smem:$0x3FB5] =	sst s10  }
0x35: {  	s10 =	sld [smem:$0x3FB4];
	_ =	sdelay $0x3  }
0x36: {  	p1 =	seq.s32 s10, $0x1;
	s10 =	sld [smem:$0x3FB5];
	_ =	sdelay $0x3  }
0x37: {  	[smem:$0x3FB5] =	sst s10  }
0x38: {  	s10 =	sld [smem:$0x3FB6]  }
0x39: {  	_ = 	snop;
	(pc) =	sbr.ind lr, $3  }
0x3a: {  	_ = 	snop  }
0x3b: {  	_ = 	snop  }
0x3c: {  	p2 =	seq.s32 s10, $0x1;
	s10 =	sld [smem:$0x3FB5]  }
0x3d: {  	_ =	shalt  }
0x3e: {  	_ =	shalt  }
0x3f: {  	_ =	shalt  }
0x40: {  	_ =	shalt  }
0x41: {  	_ =	shalt  }
0x42: {  	_ =	shalt  }
0x43: {  	_ =	shalt  }
0x44: {  	_ =	shalt  }
0x45: {  	_ =	shalt  }
0x46: {  	_ =	shalt  }
0x47: {  	_ =	shalt  }
0x48: {  	_ =	shalt  }
0x49: {  	_ =	shalt  }
0x4a: {  	_ =	shalt  }
0x4b: {  	_ =	shalt  }
0x4c: {  	_ =	shalt  }
0x4d: {  	_ =	shalt  }
0x4e: {  	_ =	shalt  }
0x4f: {  	_ =	shalt  }
0x50: {  	_ =	shalt  }
0x51: {  	_ =	shalt  }
0x52: {  	_ =	shalt  }
0x53: {  	_ =	shalt  }
0x54: {  	_ =	shalt  }
0x55: {  	_ =	shalt  }
0x56: {  	_ =	shalt  }
0x57: {  	_ =	shalt  }
0x58: {  	_ =	shalt  }
0x59: {  	_ =	shalt  }
0x5a: {  	_ =	shalt  }
0x5b: {  	_ =	shalt  }
0x5c: {  	_ =	shalt  }
0x5d: {  	_ =	shalt  }
0x5e: {  	_ =	shalt  }
0x5f: {  	_ =	shalt  }
0x60: {  	_ =	shalt  }
0x61: {  	_ =	shalt  }
0x62: {  	_ =	shalt  }
0x63: {  	_ =	shalt  }
0x64: {  	_ =	shalt  }
0x65: {  	_ =	shalt  }
0x66: {  	_ =	shalt  }
0x67: {  	_ =	shalt  }
0x68: {  	_ =	shalt  }
0x69: {  	_ =	shalt  }
0x6a: {  	_ =	shalt  }
0x6b: {  	_ =	shalt  }
0x6c: {  	_ =	shalt  }
0x6d: {  	_ =	shalt  }
0x6e: {  	_ =	shalt  }
0x6f: {  	_ =	shalt  }
0x70: {  	_ =	shalt  }
0x71: {  	_ =	shalt  }
0x72: {  	_ =	shalt  }
0x73: {  	_ =	shalt  }
0x74: {  	_ =	shalt  }
0x75: {  	_ =	shalt  }
0x76: {  	_ =	shalt  }
0x77: {  	_ =	shalt  }
0x78: {  	_ =	shalt  }
0x79: {  	_ =	shalt  }
0x7a: {  	_ =	shalt  }
0x7b: {  	_ =	shalt  }
0x7c: {  	_ =	shalt  }
0x7d: {  	_ =	shalt  }
0x7e: {  	_ =	shalt  }
0x7f: {  	_ =	shalt  }
0x80: {  	_ =	shalt  }
0x81: {  	_ =	shalt  }
0x82: {  	_ =	shalt  }
0x83: {  	_ =	shalt  }
0x84: {  	_ =	shalt  }
0x85: {  	_ =	shalt  }
0x86: {  	_ =	shalt  }
0x87: {  	_ =	shalt  }
.Lfunc_end0:
.L_simem_size_0:
called_computation.1_lowered:
.L_overlay_start_0:
0x88: {  	s2 =	sld [smem:$0x3FD9]  }
0x89: {  	s3 =	sld [smem:$0x3FFE];
	_ =	sdelay $0x1  }
0x8a: {  	s1 =	srdreg.scid  }
0x8b: {  	s0 =	sand.u32 $0x1, s1  }
0x8c: {  	s14 =	sshll.u32 s0, $0xA;
	s2 =	sadd.s32 s3, s2  }
0x8d: {  	s2 =	sadd.s32 s2, s14  }
0x8e: {  	[smem:$0x3FC1] =	sst s2  }
0x8f: {  	_ = 	snop  }
0x90: {  	s2 =	sld [smem:$0x3FD0];
	_ =	sdelay $0x2  }
0x91: {  	s4 =	simm.s32 $0xA;
	s5 =	simm.s32 $0x10;
	s15 =	sld [smem:$0x3FC9]  }
0x92: {  	[smem:s5], [sflag:s4] =	dma.local [hbm:s2], $0x1  }
0x93: {  	_ =	swait.eq [sflag:s4], $0x1  }
0x94: {  	[sflag:s4] =	ssyncset.done $0x0  }
0x95: {  	[sflag:s4] =	ssyncadd.s32 $0xFFFFFFFF  }
0x96: {  	s16 =	sld [smem:$0x11];
	(tm) =	ssettm $0x1  }
0x97: {  	s17 =	sld [smem:$0x3FFB];
	_ =	sdelay $0x3  }
0x98: {  	_ =	strace s17  }
0x99: {  	s4 =	sld [smem:$0x3FFC];
	_ =	sdelay $0x3  }
0x9a: {  	_ =	strace s4  }
0x9b: {  	s4 =	sld [smem:$0x3FFD];
	_ =	sdelay $0x3  }
0x9c: {  	_ =	strace s4  }
0x9d: {  	_ =	strace $0x8FFFFFFF  }
0x9e: {  	s18 =	sld [smem:$0x3FDB];
	_ =	sdelay $0x1  }
0x9f: {  	s19 =	simm.s32 $_scs_section_size  }
0xa0: {  	s6 =	simm.s32 $_size__tile_overlayer_lowered;
	s7 =	simm.s32 $_tile_overlayer_lowered  }
0xa1: {  	s22 =	simm.s32 $0x1BFF;
	s21 =	sshll.u32 s7, $0x1;
	s4 =	sadd.s32 s19, s18  }
0xa2: {  	s8 =	simm.s32 $0x0;
	s20 =	sshll.u32 s6, $0x1;
	s6 =	sadd.s32 s21, s4  }
0xa3: {  	[timem:s8], [sflag:s22] =	dma.local [hbm:s6], s20  }
0xa4: {  	_ =	swait.ge [sflag:s22], s20  }
0xa5: {  	s5 =	ssub.s32 $0x0, s20;
	[sflag:s22] =	ssyncset.done $0x0  }
0xa6: {  	[sflag:s22] =	ssyncadd.s32 s5;
	_ =	sdelay $0x1  }
0xa7: {  	s23 =	simm.s32 $0x1B8B  }
0xa8: {  	_ =	swait.ge [sflag:s23], $0x1  }
0xa9: {  	[sflag:s23] =	ssyncset.done $0x0  }
0xaa: {  	s25 =	simm.s32 $0x1B8E;
	s24 =	sld [smem:$0x3FFE];
	[sflag:s23] =	ssyncadd.s32 $0xFFFFFFFF  }
0xab: {  	s26 =	simm.s32 $execute0_lowered;
	[smem:$0x3FD2] =	sst s25  }
0xac: {  	s6 =	sshll.u32 s26, $0x1;
	_ =	strace $0x80000049;
	[dreg:$0x1] =	wrdreg $0xFFFFFFFF  }
0xad: {  	s28 =	simm.s32 $_size_execute0_lowered;
	s4 =	sadd.s32 s4, s6;
	[dreg:$0x0] =	wrdreg $0x0  }
0xae: {  	s6 =	sshll.u32 s28, $0x1;
	[dreg:$0x2] =	wrdreg s4  }
0xaf: {  	[dreg:$0x3] =	wrdreg s6  }
0xb0: {  	[dreg:$0x4] =	wrdreg $0xC0  }
0xb1: {  	_ =	task [dreg:s8], $0x5FFFF  }
0xb2: {  	[dreg:$0x1] =	wrdreg $0xFFFFFFFF  }
0xb3: {  	[dreg:$0x0] =	wrdreg $0x60  }
0xb4: {  	[dreg:$0x2] =	wrdreg s15  }
0xb5: {  	[dreg:$0x3] =	wrdreg s16  }
0xb6: {  	[dreg:$0x4] =	wrdreg s24  }
0xb7: {  	[dreg:$0x5] =	wrdreg $0x9  }
0xb8: {  	_ =	task.clear_ibuf [dreg:s8], $0x6FFFF;
	_ =	strace $0x90000049  }
0xb9: {  	s29 =	simm.s32 $0x9;
	_ =	strace $0x8000004B  }
0xba: {  	_ =	swait.ge [sflag:s29], $0x1  }
0xbb: {  	[sflag:s29] =	ssyncadd.s32 $0xFFFFFFFF  }
0xbc: {  	_ =	strace $0x9000004B  }
0xbd: {  	_ =	sfence  }
0xbe: {  	s30 =	sld [smem:$0x0];
	_ =	sdelay $0x2  }
0xbf: {  	s31 =	sshll.u32 s1, $0xD;
	s1 =	sshrl.u32 s1, $0x2  }
0xc0: {  	s3 =	sand.u32 $0x4000, s31;
	s1 =	sadd.s32 s1, s30  }
0xc1: {  	s0 =	sor.u32 s3, s0;
	s1 =	sshll.u32 s1, $0x11  }
0xc2: {  	s0 =	sor.u32 s1, s0  }
0xc3: {  	s0 =	sadd.s32 $0x8F2B, s0  }
0xc4: {  	[sflag:s0] =	ssyncadd.remote.s32 $0x1  }
0xc5: {  	_ =	sfence.sel $0xFFFF  }
0xc6: {  	[dreg:$0x0] =	wrdreg $0xFFFFFFFF;
	(pc) =	sbr.abs _section_cstart, $3  }
0xc7: {  	[dreg:$0x1] =	wrdreg $0xFFFFFFFF  }
0xc8: {  	_ =	task.clear_ibuf [dreg:s8], $0x2FFFF;
	_ =	strace $0x9FFFFFFF  }
0xc9: {  	(tm) =	ssettm $0x7FFFFFFF  }
tec
execute0_lowered:
.L_overlay_start_1:
0x0: {  	(tag) =	ssettag $0x1  }
0x1: {  	s0 =	rddreg [dreg:$0x0]  }
0x2: {  	s1 =	rddreg [dreg:$0x1]  }
0x3: {  	s4 =	rddreg [dreg:$0x2]  }
0x4: {  	s3 =	srdreg.scid;
	s9 =	stileid.u32  }
0x5: {  	s2 =	simm.s32 $0x0;
	s12 =	simm.s32 $0x1;
	s19 =	simm.s32 $0xA00  }
0x6: {  	s20 =	simm.s32 $0x1200;
	s21 =	simm.s32 $0x1A00;
	s28 =	simm.s32 $0x4A00  }
0x7: {  	s29 =	simm.s32 $0x5200;
	s30 =	simm.s32 $0x5A00;
	s31 =	simm.s32 $0x6200  }
0x8: {  	s14 =	simm.s32 $0x8200;
	s15 =	simm.s32 $0x8A00;
	s16 =	simm.s32 $0x9200  }
0x9: {  	s10 =	simm.s32 $0xAA00;
	s13 =	simm.s32 $0xB200;
	s17 =	simm.s32 $0x2  }
0xa: {  	s5 =	sand.u32 $0x1, s3;
	s22 =	sshll.u32 s9, $0x1;
	[smem:$0x7FF] =	sst s2  }
0xb: {  	s3 =	sadd.s32 $0x20400, s4;
	s9 =	sshll.u32 s9, $0x7;
	s6 =	sor.u32 s5, s22  }
0xc: {  	_ =	strace $0x8000004A;
	s8 =	sshll.u32 s5, $0x6;
	s5 =	ssub.s32 $0x2, s5  }
0xd: {  	s22 =	simm.s32 $0x2200;
	s7 =	smul.u32 $0x6000, s6;
	s1 =	sadd.s32 s1, s8  }
0xe: {  	s6 =	smul.u32 $0x30000, s6;
	s24 =	sshrl.u32 s5, $0x1;
	s1 =	sadd.s32 s9, s1  }
0xf: {  	s26 =	ssub.s32 s5, s24;
	s5 =	sadd.s32 $0x20500, s4;
	s24 =	simm.s32 $0x3200  }
0x10: {  	s7 =	sadd.s32 s0, s7;
	s6 =	sshrl.u32 s6, $0x3;
	[dreg:$0x4] =	wrdreg s1  }
0x11: {  	s1 =	simm.s32 $0x3;
	[dreg:$0x8] =	wrdreg s7;
	s23 =	sadd.s32 $0x1800, s7  }
0x12: {  	s0 =	sadd.s32 s0, s6;
	s6 =	sadd.s32 $0x20600, s4;
	s7 =	smax.u32 s26, $0x1  }
0x13: {  	v2 =	vlaneseq.u32;
	s4 =	simm.s32 $0x4;
	[dreg:$0x5] =	wrdreg s23;
	s25 =	sadd.s32 $0x3000, s0  }
0x14: {  	vm0 =	vmmov $0xffff;
	v1 =	vshrl.u32 v2, $0x3;
	s26 =	simm.s32 $0x4200;
	s0 =	sadd.s32 $0x4800, s0;
	[dreg:$0x6] =	wrdreg s25  }
0x15: {  	v0 =	vand.u32 $0x7, v2;
	v2 =	vor.u32 $0x8, v2;
	v1 =	vmul.u32 $0x8, v1;
	s23 =	simm.s32 $0x2A00;
	[dreg:$0x7] =	wrdreg s0;
	s25 =	simm.s32 $0x3A00  }
.LBB2_1:
0x16: {  	s18 =	rddreg [dreg:$0x4];
	s0 =	simm.s32 $0x5  }
0x17: {  	[tilespmem:s2], [sflag:$0x5] =	stream.linear.gather [hbm4b:s18+s2], $0x200, $0x38;
	[tilespmem:$0x18200] =	vst v63  }
0x18: {  	_ =	swait.ge [sflag:s0], $0x200  }
0x19: {  	[sflag:s0] =	ssyncset.done $0x0  }
0x1a: {  	s11 =	simm.s32 $0x200;
	s9 =	rddreg [dreg:$0x8];
	[sflag:s0] =	ssyncadd.s32 $0xFFFFFE00  }
0x1b: {  	[tilespmem:s11], [sflag:$0x1] =	stream.linear.gather [hbm4b:s9+s2], $0xC000, $0x38;
	[tilespmem:$0x18200] =	vst v63  }
0x1c: {  	_ =	swait.ge [sflag:s12], $0xC000  }
0x1d: {  	[sflag:s12] =	ssyncset.done $0x0  }
0x1e: {  	[sflag:s12] =	ssyncadd.s32 $0xFFFF4000  }
0x1f: {  	v3 =	vld [tilespmem:$0x0];
	_ =	sdelay $0x4  }
0x20: {  	v4 =	vshrl.u32 v3, $0x3  }
0x21: {  	v4 =	vmul.u32 $0x30, v4  }
0x22: {  	v3 =	vand.u32 $0x7, v3  }
0x23: {  	v3 =	vor.u32 v3, v4  }
0x24: {  	v4 =	vperm.xlane v3, v0;
	_ =	sdelay $0x1  }
0x25: {  	v4 =	vadd.s32 v1, v4;
	_ =	sdelay $0x3  }
0x26: {  	v3 =	vperm.xlane v3, v2  }
0x27: {  	[hbm4b:s3+s2] =	stream.indirect_vreg.scatter [tilespmem:s11], [sflag:$0x3], $0x80, v4, vm0, $0xb8;
	[tilespmem:$0x18200] =	vst v63  }
0x28: {  	v3 =	vadd.s32 v1, v3  }
0x29: {  	[hbm4b:s5+s2] =	stream.indirect_vreg.scatter [tilespmem:s19], [sflag:$0x3], $0x80, v4, vm0, $0xb8;
	[tilespmem:$0x18200] =	vst v63  }
0x2a: {  	_ = 	snop  }
0x2b: {  	[hbm4b:s6+s2] =	stream.indirect_vreg.scatter [tilespmem:s20], [sflag:$0x3], $0x80, v4, vm0, $0xb8;
	[tilespmem:$0x18200] =	vst v63  }
0x2c: {  	_ = 	snop  }
0x2d: {  	[hbm4b:s3+s2] =	stream.indirect_vreg.scatter [tilespmem:s21], [sflag:$0x3], $0x80, v3, vm0, $0xb8;
	[tilespmem:$0x18200] =	vst v63  }
0x2e: {  	_ = 	snop  }
0x2f: {  	[hbm4b:s5+s2] =	stream.indirect_vreg.scatter [tilespmem:s22], [sflag:$0x3], $0x80, v3, vm0, $0xb8;
	[tilespmem:$0x18200] =	vst v63  }
0x30: {  	_ = 	snop  }
0x31: {  	[hbm4b:s6+s2] =	stream.indirect_vreg.scatter [tilespmem:s23], [sflag:$0x3], $0x80, v3, vm0, $0xb8;
	[tilespmem:$0x18200] =	vst v63  }
0x32: {  	v3 =	vld [tilespmem:$0x10];
	_ =	sdelay $0x4  }
0x33: {  	v49 =	vshrl.u32 v3, $0x3  }
0x34: {  	v4 =	vmul.u32 $0x30, v49  }
0x35: {  	v3 =	vand.u32 $0x7, v3  }
0x36: {  	v3 =	vor.u32 v3, v4  }
0x37: {  	v4 =	vperm.xlane v3, v0;
	_ =	sdelay $0x1  }
0x38: {  	v4 =	vadd.s32 v1, v4;
	_ =	sdelay $0x3  }
0x39: {  	v3 =	vperm.xlane v3, v2  }
0x3a: {  	[hbm4b:s3+s2] =	stream.indirect_vreg.scatter [tilespmem:s24], [sflag:$0x3], $0x80, v4, vm0, $0xb8;
	[tilespmem:$0x18200] =	vst v63  }
0x3b: {  	v3 =	vadd.s32 v1, v3  }
0x3c: {  	[hbm4b:s5+s2] =	stream.indirect_vreg.scatter [tilespmem:s25], [sflag:$0x3], $0x80, v4, vm0, $0xb8;
	[tilespmem:$0x18200] =	vst v63  }
0x3d: {  	_ = 	snop  }
0x3e: {  	[hbm4b:s6+s2] =	stream.indirect_vreg.scatter [tilespmem:s26], [sflag:$0x3], $0x80, v4, vm0, $0xb8;
	[tilespmem:$0x18200] =	vst v63  }
0x3f: {  	_ = 	snop  }
0x40: {  	[hbm4b:s3+s2] =	stream.indirect_vreg.scatter [tilespmem:s28], [sflag:$0x3], $0x80, v3, vm0, $0xb8;
	[tilespmem:$0x18200] =	vst v63  }
0x41: {  	_ = 	snop  }
0x42: {  	[hbm4b:s5+s2] =	stream.indirect_vreg.scatter [tilespmem:s29], [sflag:$0x3], $0x80, v3, vm0, $0xb8;
	[tilespmem:$0x18200] =	vst v63  }
0x43: {  	_ = 	snop  }
0x44: {  	[hbm4b:s6+s2] =	stream.indirect_vreg.scatter [tilespmem:s30], [sflag:$0x3], $0x80, v3, vm0, $0xb8;
	[tilespmem:$0x18200] =	vst v63  }
0x45: {  	v3 =	vld [tilespmem:$0x20];
	_ =	sdelay $0x4  }
0x46: {  	v50 =	vshrl.u32 v3, $0x3  }
0x47: {  	v4 =	vmul.u32 $0x30, v50  }
0x48: {  	v3 =	vand.u32 $0x7, v3  }
0x49: {  	v3 =	vor.u32 v3, v4  }
0x4a: {  	v4 =	vperm.xlane v3, v0;
	_ =	sdelay $0x1  }
0x4b: {  	v4 =	vadd.s32 v1, v4;
	_ =	sdelay $0x3  }
0x4c: {  	v3 =	vperm.xlane v3, v2  }
0x4d: {  	[hbm4b:s3+s2] =	stream.indirect_vreg.scatter [tilespmem:s31], [sflag:$0x3], $0x80, v4, vm0, $0xb8;
	[tilespmem:$0x18200] =	vst v63  }
0x4e: {  	s18 =	simm.s32 $0x6A00;
	v3 =	vadd.s32 v1, v3  }
0x4f: {  	[hbm4b:s5+s2] =	stream.indirect_vreg.scatter [tilespmem:s18], [sflag:$0x3], $0x80, v4, vm0, $0xb8;
	[tilespmem:$0x18200] =	vst v63  }
0x50: {  	s8 =	simm.s32 $0x7200  }
0x51: {  	[hbm4b:s6+s2] =	stream.indirect_vreg.scatter [tilespmem:s8], [sflag:$0x3], $0x80, v4, vm0, $0xb8;
	[tilespmem:$0x18200] =	vst v63  }
0x52: {  	s9 =	simm.s32 $0x7A00  }
0x53: {  	[hbm4b:s3+s2] =	stream.indirect_vreg.scatter [tilespmem:s9], [sflag:$0x3], $0x80, v3, vm0, $0xb8;
	[tilespmem:$0x18200] =	vst v63  }
0x54: {  	_ = 	snop  }
0x55: {  	[hbm4b:s5+s2] =	stream.indirect_vreg.scatter [tilespmem:s14], [sflag:$0x3], $0x80, v3, vm0, $0xb8;
	[tilespmem:$0x18200] =	vst v63  }
0x56: {  	_ = 	snop  }
0x57: {  	[hbm4b:s6+s2] =	stream.indirect_vreg.scatter [tilespmem:s15], [sflag:$0x3], $0x80, v3, vm0, $0xb8;
	[tilespmem:$0x18200] =	vst v63  }
0x58: {  	v3 =	vld [tilespmem:$0x30];
	_ =	sdelay $0x4  }
0x59: {  	v51 =	vshrl.u32 v3, $0x3  }
0x5a: {  	v4 =	vmul.u32 $0x30, v51  }
0x5b: {  	v3 =	vand.u32 $0x7, v3  }
0x5c: {  	v3 =	vor.u32 v3, v4  }
0x5d: {  	v4 =	vperm.xlane v3, v0;
	_ =	sdelay $0x1  }
0x5e: {  	v4 =	vadd.s32 v1, v4;
	_ =	sdelay $0x3  }
0x5f: {  	v3 =	vperm.xlane v3, v2  }
0x60: {  	[hbm4b:s3+s2] =	stream.indirect_vreg.scatter [tilespmem:s16], [sflag:$0x3], $0x80, v4, vm0, $0xb8;
	[tilespmem:$0x18200] =	vst v63  }
0x61: {  	s18 =	simm.s32 $0x9A00;
	v3 =	vadd.s32 v1, v3  }
0x62: {  	[hbm4b:s5+s2] =	stream.indirect_vreg.scatter [tilespmem:s18], [sflag:$0x3], $0x80, v4, vm0, $0xb8;
	[tilespmem:$0x18200] =	vst v63  }
0x63: {  	s9 =	simm.s32 $0xA200  }
0x64: {  	[hbm4b:s6+s2] =	stream.indirect_vreg.scatter [tilespmem:s9], [sflag:$0x3], $0x80, v4, vm0, $0xb8;
	[tilespmem:$0x18200] =	vst v63  }
0x65: {  	_ = 	snop  }
0x66: {  	[hbm4b:s3+s2] =	stream.indirect_vreg.scatter [tilespmem:s10], [sflag:$0x3], $0x80, v3, vm0, $0xb8;
	[tilespmem:$0x18200] =	vst v63  }
0x67: {  	_ = 	snop  }
0x68: {  	[hbm4b:s5+s2] =	stream.indirect_vreg.scatter [tilespmem:s13], [sflag:$0x3], $0x80, v3, vm0, $0xb8;
	[tilespmem:$0x18200] =	vst v63  }
0x69: {  	s8 =	simm.s32 $0xBA00  }
0x6a: {  	[hbm4b:s6+s2] =	stream.indirect_vreg.scatter [tilespmem:s8], [sflag:$0x3], $0x80, v3, vm0, $0xb8;
	[tilespmem:$0x18200] =	vst v63  }
0x6b: {  	s0 =	simm.s32 $0xC200;
	s18 =	rddreg [dreg:$0x5]  }
0x6c: {  	[tilespmem:s0], [sflag:$0x2] =	stream.linear.gather [hbm4b:s18+s2], $0xC000, $0x38;
	[tilespmem:$0x18200] =	vst v63  }
0x6d: {  	_ =	swait.ge [sflag:s17], $0xC000  }
0x6e: {  	[sflag:s17] =	ssyncset.done $0x0  }
0x6f: {  	[sflag:s17] =	ssyncadd.s32 $0xFFFF4000  }
0x70: {  	_ =	swait.ge [sflag:s1], $0xC000  }
0x71: {  	[sflag:s1] =	ssyncset.done $0x0  }
0x72: {  	[sflag:s1] =	ssyncadd.s32 $0xFFFF4000  }
0x73: {  	v3 =	vld [tilespmem:$0x80];
	_ =	sdelay $0x4  }
0x74: {  	v52 =	vshrl.u32 v3, $0x3  }
0x75: {  	v4 =	vmul.u32 $0x30, v52  }
0x76: {  	v3 =	vand.u32 $0x7, v3  }
0x77: {  	v3 =	vor.u32 v3, v4  }
0x78: {  	v4 =	vperm.xlane v3, v0;
	_ =	sdelay $0x1  }
0x79: {  	v4 =	vadd.s32 v1, v4;
	_ =	sdelay $0x3  }
0x7a: {  	v3 =	vperm.xlane v3, v2  }
0x7b: {  	[hbm4b:s3+s2] =	stream.indirect_vreg.scatter [tilespmem:s0], [sflag:$0x4], $0x80, v4, vm0, $0xb8;
	[tilespmem:$0x18200] =	vst v63  }
0x7c: {  	s8 =	simm.s32 $0xCA00;
	v3 =	vadd.s32 v1, v3  }
0x7d: {  	[hbm4b:s5+s2] =	stream.indirect_vreg.scatter [tilespmem:s8], [sflag:$0x4], $0x80, v4, vm0, $0xb8;
	[tilespmem:$0x18200] =	vst v63  }
0x7e: {  	s18 =	simm.s32 $0xD200  }
0x7f: {  	[hbm4b:s6+s2] =	stream.indirect_vreg.scatter [tilespmem:s18], [sflag:$0x4], $0x80, v4, vm0, $0xb8;
	[tilespmem:$0x18200] =	vst v63  }
0x80: {  	s18 =	simm.s32 $0xDA00  }
0x81: {  	[hbm4b:s3+s2] =	stream.indirect_vreg.scatter [tilespmem:s18], [sflag:$0x4], $0x80, v3, vm0, $0xb8;
	[tilespmem:$0x18200] =	vst v63  }
0x82: {  	s18 =	simm.s32 $0xE200  }
0x83: {  	[hbm4b:s5+s2] =	stream.indirect_vreg.scatter [tilespmem:s18], [sflag:$0x4], $0x80, v3, vm0, $0xb8;
	[tilespmem:$0x18200] =	vst v63  }
0x84: {  	s18 =	simm.s32 $0xEA00  }
0x85: {  	[hbm4b:s6+s2] =	stream.indirect_vreg.scatter [tilespmem:s18], [sflag:$0x4], $0x80, v3, vm0, $0xb8;
	[tilespmem:$0x18200] =	vst v63  }
0x86: {  	v3 =	vld [tilespmem:$0x90];
	_ =	sdelay $0x4  }
0x87: {  	v53 =	vshrl.u32 v3, $0x3  }
0x88: {  	v4 =	vmul.u32 $0x30, v53  }
0x89: {  	v3 =	vand.u32 $0x7, v3  }
0x8a: {  	v3 =	vor.u32 v3, v4  }
0x8b: {  	v4 =	vperm.xlane v3, v0;
	_ =	sdelay $0x1  }
0x8c: {  	v4 =	vadd.s32 v1, v4;
	_ =	sdelay $0x3  }
0x8d: {  	s18 =	simm.s32 $0xF200;
	v3 =	vperm.xlane v3, v2  }
0x8e: {  	[hbm4b:s3+s2] =	stream.indirect_vreg.scatter [tilespmem:s18], [sflag:$0x4], $0x80, v4, vm0, $0xb8;
	[tilespmem:$0x18200] =	vst v63  }
0x8f: {  	v3 =	vadd.s32 v1, v3;
	s18 =	simm.s32 $0xFA00  }
0x90: {  	[hbm4b:s5+s2] =	stream.indirect_vreg.scatter [tilespmem:s18], [sflag:$0x4], $0x80, v4, vm0, $0xb8;
	[tilespmem:$0x18200] =	vst v63  }
0x91: {  	s18 =	simm.s32 $0x10200  }
0x92: {  	[hbm4b:s6+s2] =	stream.indirect_vreg.scatter [tilespmem:s18], [sflag:$0x4], $0x80, v4, vm0, $0xb8;
	[tilespmem:$0x18200] =	vst v63  }
0x93: {  	s18 =	simm.s32 $0x10A00  }
0x94: {  	[hbm4b:s3+s2] =	stream.indirect_vreg.scatter [tilespmem:s18], [sflag:$0x4], $0x80, v3, vm0, $0xb8;
	[tilespmem:$0x18200] =	vst v63  }
0x95: {  	s18 =	simm.s32 $0x11200  }
0x96: {  	[hbm4b:s5+s2] =	stream.indirect_vreg.scatter [tilespmem:s18], [sflag:$0x4], $0x80, v3, vm0, $0xb8;
	[tilespmem:$0x18200] =	vst v63  }
0x97: {  	s18 =	simm.s32 $0x11A00  }
0x98: {  	[hbm4b:s6+s2] =	stream.indirect_vreg.scatter [tilespmem:s18], [sflag:$0x4], $0x80, v3, vm0, $0xb8;
	[tilespmem:$0x18200] =	vst v63  }
0x99: {  	v3 =	vld [tilespmem:$0xA0];
	_ =	sdelay $0x4  }
0x9a: {  	v54 =	vshrl.u32 v3, $0x3  }
0x9b: {  	v4 =	vmul.u32 $0x30, v54  }
0x9c: {  	v3 =	vand.u32 $0x7, v3  }
0x9d: {  	v3 =	vor.u32 v3, v4  }
0x9e: {  	v4 =	vperm.xlane v3, v0;
	_ =	sdelay $0x1  }
0x9f: {  	v4 =	vadd.s32 v1, v4;
	_ =	sdelay $0x3  }
0xa0: {  	s18 =	simm.s32 $0x12200;
	v3 =	vperm.xlane v3, v2  }
0xa1: {  	[hbm4b:s3+s2] =	stream.indirect_vreg.scatter [tilespmem:s18], [sflag:$0x4], $0x80, v4, vm0, $0xb8;
	[tilespmem:$0x18200] =	vst v63  }
0xa2: {  	v3 =	vadd.s32 v1, v3;
	s18 =	simm.s32 $0x12A00  }
0xa3: {  	[hbm4b:s5+s2] =	stream.indirect_vreg.scatter [tilespmem:s18], [sflag:$0x4], $0x80, v4, vm0, $0xb8;
	[tilespmem:$0x18200] =	vst v63  }
0xa4: {  	s18 =	simm.s32 $0x13200  }
0xa5: {  	[hbm4b:s6+s2] =	stream.indirect_vreg.scatter [tilespmem:s18], [sflag:$0x4], $0x80, v4, vm0, $0xb8;
	[tilespmem:$0x18200] =	vst v63  }
0xa6: {  	s18 =	simm.s32 $0x13A00  }
0xa7: {  	[hbm4b:s3+s2] =	stream.indirect_vreg.scatter [tilespmem:s18], [sflag:$0x4], $0x80, v3, vm0, $0xb8;
	[tilespmem:$0x18200] =	vst v63  }
0xa8: {  	s18 =	simm.s32 $0x14200  }
0xa9: {  	[hbm4b:s5+s2] =	stream.indirect_vreg.scatter [tilespmem:s18], [sflag:$0x4], $0x80, v3, vm0, $0xb8;
	[tilespmem:$0x18200] =	vst v63  }
0xaa: {  	s18 =	simm.s32 $0x14A00  }
0xab: {  	[hbm4b:s6+s2] =	stream.indirect_vreg.scatter [tilespmem:s18], [sflag:$0x4], $0x80, v3, vm0, $0xb8;
	[tilespmem:$0x18200] =	vst v63  }
0xac: {  	v3 =	vld [tilespmem:$0xB0];
	_ =	sdelay $0x4  }
0xad: {  	v55 =	vshrl.u32 v3, $0x3  }
0xae: {  	v4 =	vmul.u32 $0x30, v55  }
0xaf: {  	v3 =	vand.u32 $0x7, v3  }
0xb0: {  	v3 =	vor.u32 v3, v4  }
0xb1: {  	v4 =	vperm.xlane v3, v0;
	_ =	sdelay $0x1  }
0xb2: {  	v4 =	vadd.s32 v1, v4;
	_ =	sdelay $0x3  }
0xb3: {  	s18 =	simm.s32 $0x15200;
	v3 =	vperm.xlane v3, v2  }
0xb4: {  	[hbm4b:s3+s2] =	stream.indirect_vreg.scatter [tilespmem:s18], [sflag:$0x4], $0x80, v4, vm0, $0xb8;
	[tilespmem:$0x18200] =	vst v63  }
0xb5: {  	v3 =	vadd.s32 v1, v3;
	s18 =	simm.s32 $0x15A00  }
0xb6: {  	[hbm4b:s5+s2] =	stream.indirect_vreg.scatter [tilespmem:s18], [sflag:$0x4], $0x80, v4, vm0, $0xb8;
	[tilespmem:$0x18200] =	vst v63  }
0xb7: {  	s18 =	simm.s32 $0x16200  }
0xb8: {  	[hbm4b:s6+s2] =	stream.indirect_vreg.scatter [tilespmem:s18], [sflag:$0x4], $0x80, v4, vm0, $0xb8;
	[tilespmem:$0x18200] =	vst v63  }
0xb9: {  	s18 =	simm.s32 $0x16A00  }
0xba: {  	[hbm4b:s3+s2] =	stream.indirect_vreg.scatter [tilespmem:s18], [sflag:$0x4], $0x80, v3, vm0, $0xb8;
	[tilespmem:$0x18200] =	vst v63  }
0xbb: {  	s18 =	simm.s32 $0x17200  }
0xbc: {  	[hbm4b:s5+s2] =	stream.indirect_vreg.scatter [tilespmem:s18], [sflag:$0x4], $0x80, v3, vm0, $0xb8;
	[tilespmem:$0x18200] =	vst v63  }
0xbd: {  	s8 =	simm.s32 $0x17A00  }
0xbe: {  	[hbm4b:s6+s2] =	stream.indirect_vreg.scatter [tilespmem:s8], [sflag:$0x4], $0x80, v3, vm0, $0xb8;
	[tilespmem:$0x18200] =	vst v63  }
0xbf: {  	s18 =	rddreg [dreg:$0x6]  }
0xc0: {  	[tilespmem:s11], [sflag:$0x1] =	stream.linear.gather [hbm4b:s18+s2], $0xC000, $0x38;
	[tilespmem:$0x18200] =	vst v63  }
0xc1: {  	_ =	swait.ge [sflag:s12], $0xC000  }
0xc2: {  	[sflag:s12] =	ssyncset.done $0x0  }
0xc3: {  	[sflag:s12] =	ssyncadd.s32 $0xFFFF4000  }
0xc4: {  	_ =	swait.ge [sflag:s4], $0xC000  }
0xc5: {  	[sflag:s4] =	ssyncset.done $0x0  }
0xc6: {  	[sflag:s4] =	ssyncadd.s32 $0xFFFF4000  }
0xc7: {  	v3 =	vld [tilespmem:$0x100];
	_ =	sdelay $0x4  }
0xc8: {  	v56 =	vshrl.u32 v3, $0x3  }
0xc9: {  	v4 =	vmul.u32 $0x30, v56  }
0xca: {  	v3 =	vand.u32 $0x7, v3  }
0xcb: {  	v3 =	vor.u32 v3, v4  }
0xcc: {  	v4 =	vperm.xlane v3, v0;
	_ =	sdelay $0x1  }
0xcd: {  	v4 =	vadd.s32 v1, v4;
	_ =	sdelay $0x3  }
0xce: {  	v3 =	vperm.xlane v3, v2  }
0xcf: {  	[hbm4b:s3+s2] =	stream.indirect_vreg.scatter [tilespmem:s11], [sflag:$0x3], $0x80, v4, vm0, $0xb8;
	[tilespmem:$0x18200] =	vst v63  }
0xd0: {  	v3 =	vadd.s32 v1, v3  }
0xd1: {  	[hbm4b:s5+s2] =	stream.indirect_vreg.scatter [tilespmem:s19], [sflag:$0x3], $0x80, v4, vm0, $0xb8;
	[tilespmem:$0x18200] =	vst v63  }
0xd2: {  	_ = 	snop  }
0xd3: {  	[hbm4b:s6+s2] =	stream.indirect_vreg.scatter [tilespmem:s20], [sflag:$0x3], $0x80, v4, vm0, $0xb8;
	[tilespmem:$0x18200] =	vst v63  }
0xd4: {  	_ = 	snop  }
0xd5: {  	[hbm4b:s3+s2] =	stream.indirect_vreg.scatter [tilespmem:s21], [sflag:$0x3], $0x80, v3, vm0, $0xb8;
	[tilespmem:$0x18200] =	vst v63  }
0xd6: {  	_ = 	snop  }
0xd7: {  	[hbm4b:s5+s2] =	stream.indirect_vreg.scatter [tilespmem:s22], [sflag:$0x3], $0x80, v3, vm0, $0xb8;
	[tilespmem:$0x18200] =	vst v63  }
0xd8: {  	_ = 	snop  }
0xd9: {  	[hbm4b:s6+s2] =	stream.indirect_vreg.scatter [tilespmem:s23], [sflag:$0x3], $0x80, v3, vm0, $0xb8;
	[tilespmem:$0x18200] =	vst v63  }
0xda: {  	v3 =	vld [tilespmem:$0x110];
	_ =	sdelay $0x4  }
0xdb: {  	v57 =	vshrl.u32 v3, $0x3  }
0xdc: {  	v4 =	vmul.u32 $0x30, v57  }
0xdd: {  	v3 =	vand.u32 $0x7, v3  }
0xde: {  	v3 =	vor.u32 v3, v4  }
0xdf: {  	v4 =	vperm.xlane v3, v0;
	_ =	sdelay $0x1  }
0xe0: {  	v4 =	vadd.s32 v1, v4;
	_ =	sdelay $0x3  }
0xe1: {  	v3 =	vperm.xlane v3, v2  }
0xe2: {  	[hbm4b:s3+s2] =	stream.indirect_vreg.scatter [tilespmem:s24], [sflag:$0x3], $0x80, v4, vm0, $0xb8;
	[tilespmem:$0x18200] =	vst v63  }
0xe3: {  	v3 =	vadd.s32 v1, v3  }
0xe4: {  	[hbm4b:s5+s2] =	stream.indirect_vreg.scatter [tilespmem:s25], [sflag:$0x3], $0x80, v4, vm0, $0xb8;
	[tilespmem:$0x18200] =	vst v63  }
0xe5: {  	_ = 	snop  }
0xe6: {  	[hbm4b:s6+s2] =	stream.indirect_vreg.scatter [tilespmem:s26], [sflag:$0x3], $0x80, v4, vm0, $0xb8;
	[tilespmem:$0x18200] =	vst v63  }
0xe7: {  	_ = 	snop  }
0xe8: {  	[hbm4b:s3+s2] =	stream.indirect_vreg.scatter [tilespmem:s28], [sflag:$0x3], $0x80, v3, vm0, $0xb8;
	[tilespmem:$0x18200] =	vst v63  }
0xe9: {  	_ = 	snop  }
0xea: {  	[hbm4b:s5+s2] =	stream.indirect_vreg.scatter [tilespmem:s29], [sflag:$0x3], $0x80, v3, vm0, $0xb8;
	[tilespmem:$0x18200] =	vst v63  }
0xeb: {  	_ = 	snop  }
0xec: {  	[hbm4b:s6+s2] =	stream.indirect_vreg.scatter [tilespmem:s30], [sflag:$0x3], $0x80, v3, vm0, $0xb8;
	[tilespmem:$0x18200] =	vst v63  }
0xed: {  	v3 =	vld [tilespmem:$0x120];
	_ =	sdelay $0x4  }
0xee: {  	v58 =	vshrl.u32 v3, $0x3  }
0xef: {  	v4 =	vmul.u32 $0x30, v58  }
0xf0: {  	v3 =	vand.u32 $0x7, v3  }
0xf1: {  	v3 =	vor.u32 v3, v4  }
0xf2: {  	v4 =	vperm.xlane v3, v0;
	_ =	sdelay $0x1  }
0xf3: {  	v4 =	vadd.s32 v1, v4;
	_ =	sdelay $0x3  }
0xf4: {  	v3 =	vperm.xlane v3, v2  }
0xf5: {  	[hbm4b:s3+s2] =	stream.indirect_vreg.scatter [tilespmem:s31], [sflag:$0x3], $0x80, v4, vm0, $0xb8;
	[tilespmem:$0x18200] =	vst v63  }
0xf6: {  	s18 =	simm.s32 $0x6A00;
	v3 =	vadd.s32 v1, v3  }
0xf7: {  	[hbm4b:s5+s2] =	stream.indirect_vreg.scatter [tilespmem:s18], [sflag:$0x3], $0x80, v4, vm0, $0xb8;
	[tilespmem:$0x18200] =	vst v63  }
0xf8: {  	s18 =	simm.s32 $0x7200  }
0xf9: {  	[hbm4b:s6+s2] =	stream.indirect_vreg.scatter [tilespmem:s18], [sflag:$0x3], $0x80, v4, vm0, $0xb8;
	[tilespmem:$0x18200] =	vst v63  }
0xfa: {  	s18 =	simm.s32 $0x7A00  }
0xfb: {  	[hbm4b:s3+s2] =	stream.indirect_vreg.scatter [tilespmem:s18], [sflag:$0x3], $0x80, v3, vm0, $0xb8;
	[tilespmem:$0x18200] =	vst v63  }
0xfc: {  	_ = 	snop  }
0xfd: {  	[hbm4b:s5+s2] =	stream.indirect_vreg.scatter [tilespmem:s14], [sflag:$0x3], $0x80, v3, vm0, $0xb8;
	[tilespmem:$0x18200] =	vst v63  }
0xfe: {  	_ = 	snop  }
0xff: {  	[hbm4b:s6+s2] =	stream.indirect_vreg.scatter [tilespmem:s15], [sflag:$0x3], $0x80, v3, vm0, $0xb8;
	[tilespmem:$0x18200] =	vst v63  }
0x100: {  	v3 =	vld [tilespmem:$0x130];
	_ =	sdelay $0x4  }
0x101: {  	v59 =	vshrl.u32 v3, $0x3  }
0x102: {  	v4 =	vmul.u32 $0x30, v59  }
0x103: {  	v3 =	vand.u32 $0x7, v3  }
0x104: {  	v3 =	vor.u32 v3, v4  }
0x105: {  	v4 =	vperm.xlane v3, v0;
	_ =	sdelay $0x1  }
0x106: {  	v4 =	vadd.s32 v1, v4;
	_ =	sdelay $0x3  }
0x107: {  	v3 =	vperm.xlane v3, v2  }
0x108: {  	[hbm4b:s3+s2] =	stream.indirect_vreg.scatter [tilespmem:s16], [sflag:$0x3], $0x80, v4, vm0, $0xb8;
	[tilespmem:$0x18200] =	vst v63  }
0x109: {  	s18 =	simm.s32 $0x9A00;
	v3 =	vadd.s32 v1, v3  }
0x10a: {  	[hbm4b:s5+s2] =	stream.indirect_vreg.scatter [tilespmem:s18], [sflag:$0x3], $0x80, v4, vm0, $0xb8;
	[tilespmem:$0x18200] =	vst v63  }
0x10b: {  	_ = 	snop  }
0x10c: {  	[hbm4b:s6+s2] =	stream.indirect_vreg.scatter [tilespmem:s9], [sflag:$0x3], $0x80, v4, vm0, $0xb8;
	[tilespmem:$0x18200] =	vst v63  }
0x10d: {  	_ = 	snop  }
0x10e: {  	[hbm4b:s3+s2] =	stream.indirect_vreg.scatter [tilespmem:s10], [sflag:$0x3], $0x80, v3, vm0, $0xb8;
	[tilespmem:$0x18200] =	vst v63  }
0x10f: {  	_ = 	snop  }
0x110: {  	[hbm4b:s5+s2] =	stream.indirect_vreg.scatter [tilespmem:s13], [sflag:$0x3], $0x80, v3, vm0, $0xb8;
	[tilespmem:$0x18200] =	vst v63  }
0x111: {  	s11 =	simm.s32 $0xBA00  }
0x112: {  	[hbm4b:s6+s2] =	stream.indirect_vreg.scatter [tilespmem:s11], [sflag:$0x3], $0x80, v3, vm0, $0xb8;
	[tilespmem:$0x18200] =	vst v63  }
0x113: {  	s18 =	rddreg [dreg:$0x7]  }
0x114: {  	[tilespmem:s0], [sflag:$0x2] =	stream.linear.gather [hbm4b:s18+s2], $0xC000, $0x38;
	[tilespmem:$0x18200] =	vst v63  }
0x115: {  	_ =	swait.ge [sflag:s17], $0xC000  }
0x116: {  	[sflag:s17] =	ssyncset.done $0x0  }
0x117: {  	[sflag:s17] =	ssyncadd.s32 $0xFFFF4000  }
0x118: {  	_ =	swait.ge [sflag:s1], $0xC000  }
0x119: {  	[sflag:s1] =	ssyncset.done $0x0  }
0x11a: {  	[sflag:s1] =	ssyncadd.s32 $0xFFFF4000  }
0x11b: {  	v3 =	vld [tilespmem:$0x180];
	_ =	sdelay $0x4  }
0x11c: {  	v60 =	vshrl.u32 v3, $0x3  }
0x11d: {  	v4 =	vmul.u32 $0x30, v60  }
0x11e: {  	v3 =	vand.u32 $0x7, v3  }
0x11f: {  	v3 =	vor.u32 v3, v4  }
0x120: {  	v4 =	vperm.xlane v3, v0;
	_ =	sdelay $0x1  }
0x121: {  	v4 =	vadd.s32 v1, v4;
	_ =	sdelay $0x3  }
0x122: {  	v3 =	vperm.xlane v3, v2  }
0x123: {  	[hbm4b:s3+s2] =	stream.indirect_vreg.scatter [tilespmem:s0], [sflag:$0x4], $0x80, v4, vm0, $0xb8;
	[tilespmem:$0x18200] =	vst v63  }
0x124: {  	s18 =	simm.s32 $0xCA00;
	v3 =	vadd.s32 v1, v3  }
0x125: {  	[hbm4b:s5+s2] =	stream.indirect_vreg.scatter [tilespmem:s18], [sflag:$0x4], $0x80, v4, vm0, $0xb8;
	[tilespmem:$0x18200] =	vst v63  }
0x126: {  	s9 =	simm.s32 $0xD200  }
0x127: {  	[hbm4b:s6+s2] =	stream.indirect_vreg.scatter [tilespmem:s9], [sflag:$0x4], $0x80, v4, vm0, $0xb8;
	[tilespmem:$0x18200] =	vst v63  }
0x128: {  	s11 =	simm.s32 $0xDA00  }
0x129: {  	[hbm4b:s3+s2] =	stream.indirect_vreg.scatter [tilespmem:s11], [sflag:$0x4], $0x80, v3, vm0, $0xb8;
	[tilespmem:$0x18200] =	vst v63  }
0x12a: {  	s18 =	simm.s32 $0xE200  }
0x12b: {  	[hbm4b:s5+s2] =	stream.indirect_vreg.scatter [tilespmem:s18], [sflag:$0x4], $0x80, v3, vm0, $0xb8;
	[tilespmem:$0x18200] =	vst v63  }
0x12c: {  	s9 =	simm.s32 $0xEA00  }
0x12d: {  	[hbm4b:s6+s2] =	stream.indirect_vreg.scatter [tilespmem:s9], [sflag:$0x4], $0x80, v3, vm0, $0xb8;
	[tilespmem:$0x18200] =	vst v63  }
0x12e: {  	v3 =	vld [tilespmem:$0x190];
	_ =	sdelay $0x4  }
0x12f: {  	v61 =	vshrl.u32 v3, $0x3  }
0x130: {  	v4 =	vmul.u32 $0x30, v61  }
0x131: {  	v3 =	vand.u32 $0x7, v3  }
0x132: {  	v3 =	vor.u32 v3, v4  }
0x133: {  	v4 =	vperm.xlane v3, v0;
	_ =	sdelay $0x1  }
0x134: {  	v4 =	vadd.s32 v1, v4;
	_ =	sdelay $0x3  }
0x135: {  	s11 =	simm.s32 $0xF200;
	v3 =	vperm.xlane v3, v2  }
0x136: {  	[hbm4b:s3+s2] =	stream.indirect_vreg.scatter [tilespmem:s11], [sflag:$0x4], $0x80, v4, vm0, $0xb8;
	[tilespmem:$0x18200] =	vst v63  }
0x137: {  	s18 =	simm.s32 $0xFA00;
	v3 =	vadd.s32 v1, v3  }
0x138: {  	[hbm4b:s5+s2] =	stream.indirect_vreg.scatter [tilespmem:s18], [sflag:$0x4], $0x80, v4, vm0, $0xb8;
	[tilespmem:$0x18200] =	vst v63  }
0x139: {  	s9 =	simm.s32 $0x10200  }
0x13a: {  	[hbm4b:s6+s2] =	stream.indirect_vreg.scatter [tilespmem:s9], [sflag:$0x4], $0x80, v4, vm0, $0xb8;
	[tilespmem:$0x18200] =	vst v63  }
0x13b: {  	s11 =	simm.s32 $0x10A00  }
0x13c: {  	[hbm4b:s3+s2] =	stream.indirect_vreg.scatter [tilespmem:s11], [sflag:$0x4], $0x80, v3, vm0, $0xb8;
	[tilespmem:$0x18200] =	vst v63  }
0x13d: {  	s18 =	simm.s32 $0x11200  }
0x13e: {  	[hbm4b:s5+s2] =	stream.indirect_vreg.scatter [tilespmem:s18], [sflag:$0x4], $0x80, v3, vm0, $0xb8;
	[tilespmem:$0x18200] =	vst v63  }
0x13f: {  	s9 =	simm.s32 $0x11A00  }
0x140: {  	[hbm4b:s6+s2] =	stream.indirect_vreg.scatter [tilespmem:s9], [sflag:$0x4], $0x80, v3, vm0, $0xb8;
	[tilespmem:$0x18200] =	vst v63  }
0x141: {  	v3 =	vld [tilespmem:$0x1A0];
	_ =	sdelay $0x4  }
0x142: {  	v62 =	vshrl.u32 v3, $0x3  }
0x143: {  	v4 =	vmul.u32 $0x30, v62  }
0x144: {  	v3 =	vand.u32 $0x7, v3  }
0x145: {  	v3 =	vor.u32 v3, v4  }
0x146: {  	v4 =	vperm.xlane v3, v0;
	_ =	sdelay $0x1  }
0x147: {  	v4 =	vadd.s32 v1, v4;
	_ =	sdelay $0x3  }
0x148: {  	s11 =	simm.s32 $0x12200;
	v3 =	vperm.xlane v3, v2  }
0x149: {  	[hbm4b:s3+s2] =	stream.indirect_vreg.scatter [tilespmem:s11], [sflag:$0x4], $0x80, v4, vm0, $0xb8;
	[tilespmem:$0x18200] =	vst v63  }
0x14a: {  	s18 =	simm.s32 $0x12A00;
	v3 =	vadd.s32 v1, v3  }
0x14b: {  	[hbm4b:s5+s2] =	stream.indirect_vreg.scatter [tilespmem:s18], [sflag:$0x4], $0x80, v4, vm0, $0xb8;
	[tilespmem:$0x18200] =	vst v63  }
0x14c: {  	s9 =	simm.s32 $0x13200  }
0x14d: {  	[hbm4b:s6+s2] =	stream.indirect_vreg.scatter [tilespmem:s9], [sflag:$0x4], $0x80, v4, vm0, $0xb8;
	[tilespmem:$0x18200] =	vst v63  }
0x14e: {  	s11 =	simm.s32 $0x13A00  }
0x14f: {  	[hbm4b:s3+s2] =	stream.indirect_vreg.scatter [tilespmem:s11], [sflag:$0x4], $0x80, v3, vm0, $0xb8;
	[tilespmem:$0x18200] =	vst v63  }
0x150: {  	s18 =	simm.s32 $0x14200  }
0x151: {  	[hbm4b:s5+s2] =	stream.indirect_vreg.scatter [tilespmem:s18], [sflag:$0x4], $0x80, v3, vm0, $0xb8;
	[tilespmem:$0x18200] =	vst v63  }
0x152: {  	s9 =	simm.s32 $0x14A00  }
0x153: {  	[hbm4b:s6+s2] =	stream.indirect_vreg.scatter [tilespmem:s9], [sflag:$0x4], $0x80, v3, vm0, $0xb8;
	[tilespmem:$0x18200] =	vst v63  }
0x154: {  	v3 =	vld [tilespmem:$0x1B0];
	_ =	sdelay $0x4  }
0x155: {  	v63 =	vshrl.u32 v3, $0x3  }
0x156: {  	v4 =	vmul.u32 $0x30, v63  }
0x157: {  	v3 =	vand.u32 $0x7, v3  }
0x158: {  	v3 =	vor.u32 v3, v4  }
0x159: {  	v4 =	vperm.xlane v3, v0;
	_ =	sdelay $0x1  }
0x15a: {  	v4 =	vadd.s32 v1, v4;
	_ =	sdelay $0x3  }
0x15b: {  	s11 =	simm.s32 $0x15200;
	v3 =	vperm.xlane v3, v2  }
0x15c: {  	[hbm4b:s3+s2] =	stream.indirect_vreg.scatter [tilespmem:s11], [sflag:$0x4], $0x80, v4, vm0, $0xb8;
	[tilespmem:$0x18200] =	vst v63  }
0x15d: {  	s18 =	simm.s32 $0x15A00;
	v3 =	vadd.s32 v1, v3  }
0x15e: {  	[hbm4b:s5+s2] =	stream.indirect_vreg.scatter [tilespmem:s18], [sflag:$0x4], $0x80, v4, vm0, $0xb8;
	[tilespmem:$0x18200] =	vst v63  }
0x15f: {  	s9 =	simm.s32 $0x16200  }
0x160: {  	[hbm4b:s6+s2] =	stream.indirect_vreg.scatter [tilespmem:s9], [sflag:$0x4], $0x80, v4, vm0, $0xb8;
	[tilespmem:$0x18200] =	vst v63  }
0x161: {  	s11 =	simm.s32 $0x16A00  }
0x162: {  	[hbm4b:s3+s2] =	stream.indirect_vreg.scatter [tilespmem:s11], [sflag:$0x4], $0x80, v3, vm0, $0xb8;
	[tilespmem:$0x18200] =	vst v63  }
0x163: {  	p0 =	sne.s32 s7, $0x1;
	s18 =	simm.s32 $0x17200  }
0x164: {  	[hbm4b:s5+s2] =	stream.indirect_vreg.scatter [tilespmem:s18], [sflag:$0x4], $0x80, v3, vm0, $0xb8;
	[tilespmem:$0x18200] =	vst v63  }
.Ltmp0:
0x165: {  	_ = 	snop;
	(pc) =	sbr.rel @p0 .LBB2_1-.Ltmp0, $4  }
0x166: {  	[hbm4b:s6+s2] =	stream.indirect_vreg.scatter [tilespmem:s8], [sflag:$0x4], $0x80, v3, vm0, $0xb8;
	[tilespmem:$0x18200] =	vst v63  }
0x167: {  	_ =	swait.ge [sflag:s4], $0xC000  }
0x168: {  	[sflag:s4] =	ssyncset.done $0x0  }
0x169: {  	s7 =	sadd.s32 $0xFFFFFFFF, s7;
	[sflag:s4] =	ssyncadd.s32 $0xFFFF4000  }
0x16a: {  	_ =	sfence.sel $0x180000  }
0x16b: {  	[bflag:$0x0] =	sbarrier.arrive $0xFFFF  }
0x16c: {  	_ =	strace $0x9000004A  }
0x16d: {  	s0 =	stileid.u32;
	[bflag:$0x2] =	sbarrier.arrive $0xFFFF  }
0x16e: {  	p0 =	sne.s32 s0, $0x0;
	s0 =	rddreg [dreg:$0x3]  }
0x16f: {  	s0 =	sadd.s32 @!p0 $0x100000, s0  }
0x170: {  	[sflag:s0] =	ssyncadd.tile.s32 @!p0 $0x1;
	_ =	shalt  }
.Lfunc_end2:
_tile_overlayer_lowered:
.L_overlay_start_2:
0x171: {  	(tag) =	ssettag $0x2  }
0x172: {  	s0 =	rddreg [dreg:$0x0];
	s2 =	stileid.u32  }
0x173: {  	s1 =	rddreg [dreg:$0x1];
	p0 =	sne.s32 s2, $0x0  }
0x174: {  	s3 =	rddreg [dreg:$0x2];
	[bflag:$0x3] =	sbarrier.arrive $0xFFFF;
	s2 =	simm.s32 @!p0 $0x1C05  }
0x175: {  	[timem:s3], [sflag:s2] =	dma.local @!p0 [hbm:s0], s1  }
0x176: {  	s0 =	simm.s32 @!p0 $0x5  }
0x177: {  	_ =	swait.ge @!p0 [sflag:s0], s1  }
0x178: {  	s1 =	ssub.s32 @!p0 $0x0, s1;
	[sflag:s0] =	ssyncset.done @!p0 $0x0  }
0x179: {  	[sflag:s0] =	ssyncadd.s32 @!p0 s1  }
0x17a: {  	[bflag:$0x3] =	sbarrier.arrive $0xFFFF  }
0x17b: {  	_ =	shalt  }

// kernel: kernel.9.cloned.1.call-start
scs
__scs_entry_jumppad:
0x0: {  	(pc) =	sbr.rel $0x88, $3  }
0x1: {  	(tag) =	ssettag $0x0;
	lr =	simm.s32 $0x1  }
0x2: {  	[smem:$0x3F9A] =	sst lr;
	_ =	strace $0xD0000000  }
0x3: {  	_ = 	snop  }
0x4: {  	_ = 	snop  }
0x5: {  	_ = 	snop  }
0x6: {  	_ = 	snop  }
0x7: {  	_ = 	snop  }
__scs_overlays_trampoline_lowered:
0x8: {  	[smem:$0x3FA9] =	sst s0  }
0x9: {  	[smem:$0x3FAA] =	sst s1  }
0xa: {  	[smem:$0x3FAB] =	sst s2  }
0xb: {  	[smem:$0x3FAC] =	sst s3  }
0xc: {  	[smem:$0x3FAD] =	sst s4  }
0xd: {  	[smem:$0x3FAE] =	sst s5  }
0xe: {  	[smem:$0x3FAF] =	sst s6  }
0xf: {  	[smem:$0x3FB0] =	sst s7  }
0x10: {  	[smem:$0x3FB1] =	sst s8  }
0x11: {  	[smem:$0x3FB2] =	sst s9;
	s0 =	simm.s32 @!p0 $0x0  }
0x12: {  	s1 =	sld [smem:$0x3F98];
	s0 =	simm.s32 @p0 $0x1  }
0x13: {  	[smem:$0x3FB3] =	sst s0;
	s0 =	simm.s32 @!p1 $0x0  }
0x14: {  	s2 =	sld [smem:$0x3F97];
	s0 =	simm.s32 @p1 $0x1  }
0x15: {  	[smem:$0x3FB4] =	sst s0;
	s0 =	simm.s32 @!p2 $0x0  }
0x16: {  	s3 =	sld [smem:$0x3FDB];
	s0 =	simm.s32 @p2 $0x1  }
0x17: {  	s4 =	simm.s32 $0x1BF5;
	[smem:$0x3FB6] =	sst s0  }
0x18: {  	s0 =	sld [smem:$0x3F99];
	_ =	swait.ge [sflag:s4], $0x0  }
0x19: {  	s7 =	sld [smem:$0x3F9A]  }
0x1a: {  	s8 =	sadd.s32 $0xFFFFE003, lr  }
0x1b: {  	s9 =	sadd.s32 $0xFFFFFEF7, lr;
	s5 =	simm.s32 $0xFFFFFFFF;
	p2 =	slt.u32 s8, $0xFFFFF086  }
0x1c: {  	p1 =	slt.u32 s9, $0xF7A;
	s5 =	simm.s32 @!p2 $0x0  }
0x1d: {  	s5 =	simm.s32 @p1 $0x1;
	p0 =	seq.s32 s7, s2  }
0x1e: {  	s7 =	smul.u32 @!p0 $0xF7A, s2;
	p2 =	seq.s32 @!p0 s5, $0x0  }
0x1f: {  	s9 =	smul.u32 $0xF7A, s1;
	s8 =	simm.s32 @!p0 $0x1BF5;
	p2 =	por !p2, p0  }
0x20: {  	[sflag:s8] =	ssyncset.s32 @!p0 $0xFFFFF086;
	s6 =	sadd.s32 @!p0 s3, s7;
	s7 =	simm.s32 @!p0 $0x108  }
0x21: {  	s3 =	sadd.s32 s3, s9;
	s6 =	sadd.s32 @!p0 $0x88, s6;
	s7 =	simm.s32 @p2 $0x1082  }
0x22: {  	[simem:s7], [sflag:s8] =	dma.local @!p0 [hbm:s6], $0xF7A  }
0x23: {  	s9 =	sor.u32 $0xD0000000, s2;
	s6 =	simm.s32 $0x108;
	_ =	swait.ge @!p0 [sflag:s8], $0x0  }
0x24: {  	s3 =	sadd.s32 $0x88, s3;
	s6 =	simm.s32 @!p1 $0x1082;
	[sflag:s4] =	ssyncset.s32 $0xFFFFF086  }
0x25: {  	[simem:s6], [sflag:s4] =	dma.local [hbm:s3], $0xF7A  }
0x26: {  	[smem:$0x3F9A] =	sst s1;
	(tag) =	ssettag s2;
	_ =	strace s9  }
0x27: {  	s1 =	sld [smem:$0x3FAA]  }
0x28: {  	s2 =	sld [smem:$0x3FAB]  }
0x29: {  	s4 =	sld [smem:$0x3FAD]  }
0x2a: {  	p0 =	seq.s32 s5, $0x0;
	s5 =	sld [smem:$0x3FAE]  }
0x2b: {  	s6 =	sld [smem:$0x3FAF]  }
0x2c: {  	s7 =	sld [smem:$0x3FB0]  }
0x2d: {  	s3 =	simm.s32 $0x108;
	s8 =	sld [smem:$0x3FB1]  }
0x2e: {  	s3 =	simm.s32 @!p0 $0x1082;
	s9 =	sld [smem:$0x3FB2]  }
0x2f: {  	lr =	sadd.s32 s0, s3;
	s0 =	sld [smem:$0x3FA9]  }
0x30: {  	s3 =	sld [smem:$0x3FAC]  }
0x31: {  	[smem:$0x3FB5] =	sst s10  }
0x32: {  	s10 =	sld [smem:$0x3FB3];
	_ =	sdelay $0x3  }
0x33: {  	p0 =	seq.s32 s10, $0x1;
	s10 =	sld [smem:$0x3FB5];
	_ =	sdelay $0x3  }
0x34: {  	[smem:$0x3FB5] =	sst s10  }
0x35: {  	s10 =	sld [smem:$0x3FB4];
	_ =	sdelay $0x3  }
0x36: {  	p1 =	seq.s32 s10, $0x1;
	s10 =	sld [smem:$0x3FB5];
	_ =	sdelay $0x3  }
0x37: {  	[smem:$0x3FB5] =	sst s10  }
0x38: {  	s10 =	sld [smem:$0x3FB6]  }
0x39: {  	_ = 	snop;
	(pc) =	sbr.ind lr, $3  }
0x3a: {  	_ = 	snop  }
0x3b: {  	_ = 	snop  }
0x3c: {  	p2 =	seq.s32 s10, $0x1;
	s10 =	sld [smem:$0x3FB5]  }
0x3d: {  	_ =	shalt  }
0x3e: {  	_ =	shalt  }
0x3f: {  	_ =	shalt  }
0x40: {  	_ =	shalt  }
0x41: {  	_ =	shalt  }
0x42: {  	_ =	shalt  }
0x43: {  	_ =	shalt  }
0x44: {  	_ =	shalt  }
0x45: {  	_ =	shalt  }
0x46: {  	_ =	shalt  }
0x47: {  	_ =	shalt  }
0x48: {  	_ =	shalt  }
0x49: {  	_ =	shalt  }
0x4a: {  	_ =	shalt  }
0x4b: {  	_ =	shalt  }
0x4c: {  	_ =	shalt  }
0x4d: {  	_ =	shalt  }
0x4e: {  	_ =	shalt  }
0x4f: {  	_ =	shalt  }
0x50: {  	_ =	shalt  }
0x51: {  	_ =	shalt  }
0x52: {  	_ =	shalt  }
0x53: {  	_ =	shalt  }
0x54: {  	_ =	shalt  }
0x55: {  	_ =	shalt  }
0x56: {  	_ =	shalt  }
0x57: {  	_ =	shalt  }
0x58: {  	_ =	shalt  }
0x59: {  	_ =	shalt  }
0x5a: {  	_ =	shalt  }
0x5b: {  	_ =	shalt  }
0x5c: {  	_ =	shalt  }
0x5d: {  	_ =	shalt  }
0x5e: {  	_ =	shalt  }
0x5f: {  	_ =	shalt  }
0x60: {  	_ =	shalt  }
0x61: {  	_ =	shalt  }
0x62: {  	_ =	shalt  }
0x63: {  	_ =	shalt  }
0x64: {  	_ =	shalt  }
0x65: {  	_ =	shalt  }
0x66: {  	_ =	shalt  }
0x67: {  	_ =	shalt  }
0x68: {  	_ =	shalt  }
0x69: {  	_ =	shalt  }
0x6a: {  	_ =	shalt  }
0x6b: {  	_ =	shalt  }
0x6c: {  	_ =	shalt  }
0x6d: {  	_ =	shalt  }
0x6e: {  	_ =	shalt  }
0x6f: {  	_ =	shalt  }
0x70: {  	_ =	shalt  }
0x71: {  	_ =	shalt  }
0x72: {  	_ =	shalt  }
0x73: {  	_ =	shalt  }
0x74: {  	_ =	shalt  }
0x75: {  	_ =	shalt  }
0x76: {  	_ =	shalt  }
0x77: {  	_ =	shalt  }
0x78: {  	_ =	shalt  }
0x79: {  	_ =	shalt  }
0x7a: {  	_ =	shalt  }
0x7b: {  	_ =	shalt  }
0x7c: {  	_ =	shalt  }
0x7d: {  	_ =	shalt  }
0x7e: {  	_ =	shalt  }
0x7f: {  	_ =	shalt  }
0x80: {  	_ =	shalt  }
0x81: {  	_ =	shalt  }
0x82: {  	_ =	shalt  }
0x83: {  	_ =	shalt  }
0x84: {  	_ =	shalt  }
0x85: {  	_ =	shalt  }
0x86: {  	_ =	shalt  }
0x87: {  	_ =	shalt  }
.Lfunc_end0:
.L_simem_size_0:
called_computation.2_lowered:
.L_overlay_start_0:
0x88: {  	s2 =	sld [smem:$0x3FD9]  }
0x89: {  	s3 =	sld [smem:$0x3FFE];
	_ =	sdelay $0x1  }
0x8a: {  	s1 =	srdreg.scid  }
0x8b: {  	s0 =	sand.u32 $0x1, s1  }
0x8c: {  	s14 =	sshll.u32 s0, $0xA;
	s2 =	sadd.s32 s3, s2  }
0x8d: {  	s2 =	sadd.s32 s2, s14  }
0x8e: {  	[smem:$0x3FC1] =	sst s2  }
0x8f: {  	_ = 	snop  }
0x90: {  	s2 =	sld [smem:$0x3FD0];
	_ =	sdelay $0x2  }
0x91: {  	s15 =	simm.s32 $0xA;
	s4 =	simm.s32 $0x10  }
0x92: {  	[smem:s4], [sflag:s15] =	dma.local [hbm:s2], $0x1  }
0x93: {  	_ =	swait.eq [sflag:s15], $0x1  }
0x94: {  	[sflag:s15] =	ssyncset.done $0x0  }
0x95: {  	[sflag:s15] =	ssyncadd.s32 $0xFFFFFFFF  }
0x96: {  	s16 =	sld [smem:$0x10];
	(tm) =	ssettm $0x1  }
0x97: {  	s17 =	sld [smem:$0x3FFB];
	_ =	sdelay $0x3  }
0x98: {  	_ =	strace s17  }
0x99: {  	s3 =	sld [smem:$0x3FFC];
	_ =	sdelay $0x3  }
0x9a: {  	_ =	strace s3  }
0x9b: {  	s3 =	sld [smem:$0x3FFD];
	_ =	sdelay $0x3  }
0x9c: {  	_ =	strace s3  }
0x9d: {  	_ =	strace $0x8FFFFFFF  }
0x9e: {  	s18 =	sld [smem:$0x3FDB];
	_ =	sdelay $0x1  }
0x9f: {  	s19 =	simm.s32 $_scs_section_size  }
0xa0: {  	s5 =	simm.s32 $_size__tile_overlayer_lowered;
	s6 =	simm.s32 $_tile_overlayer_lowered  }
0xa1: {  	s22 =	simm.s32 $0x1BFF;
	s21 =	sshll.u32 s6, $0x1;
	s3 =	sadd.s32 s19, s18  }
0xa2: {  	s7 =	simm.s32 $0x0;
	s20 =	sshll.u32 s5, $0x1;
	s5 =	sadd.s32 s21, s3  }
0xa3: {  	[timem:s7], [sflag:s22] =	dma.local [hbm:s5], s20  }
0xa4: {  	_ =	swait.ge [sflag:s22], s20  }
0xa5: {  	s4 =	ssub.s32 $0x0, s20;
	[sflag:s22] =	ssyncset.done $0x0  }
0xa6: {  	[sflag:s22] =	ssyncadd.s32 s4;
	_ =	sdelay $0x1  }
0xa7: {  	s23 =	simm.s32 $0x1B8B  }
0xa8: {  	_ =	swait.ge [sflag:s23], $0x1  }
0xa9: {  	[sflag:s23] =	ssyncset.done $0x0  }
0xaa: {  	s25 =	simm.s32 $0x1B8E;
	s24 =	sld [smem:$0x3FFE];
	[sflag:s23] =	ssyncadd.s32 $0xFFFFFFFF  }
0xab: {  	s26 =	simm.s32 $execute0_lowered;
	[smem:$0x3FD2] =	sst s25  }
0xac: {  	s5 =	sshll.u32 s26, $0x1;
	_ =	strace $0x8000004C;
	[dreg:$0x1] =	wrdreg $0xFFFFFFFF  }
0xad: {  	s28 =	simm.s32 $_size_execute0_lowered;
	s3 =	sadd.s32 s3, s5;
	[dreg:$0x0] =	wrdreg $0x0  }
0xae: {  	s5 =	sshll.u32 s28, $0x1;
	[dreg:$0x2] =	wrdreg s3  }
0xaf: {  	[dreg:$0x3] =	wrdreg s5  }
0xb0: {  	[dreg:$0x4] =	wrdreg $0xC0  }
0xb1: {  	_ =	task [dreg:s7], $0x5FFFF  }
0xb2: {  	[dreg:$0x1] =	wrdreg $0xFFFFFFFF  }
0xb3: {  	[dreg:$0x0] =	wrdreg $0x60  }
0xb4: {  	[dreg:$0x2] =	wrdreg s24  }
0xb5: {  	[dreg:$0x3] =	wrdreg s16  }
0xb6: {  	[dreg:$0x4] =	wrdreg $0x9  }
0xb7: {  	_ =	task.clear_ibuf [dreg:s7], $0x5FFFF;
	_ =	strace $0x9000004C  }
0xb8: {  	s29 =	simm.s32 $0x9;
	_ =	strace $0x8000004E  }
0xb9: {  	_ =	swait.ge [sflag:s29], $0x1  }
0xba: {  	[sflag:s29] =	ssyncadd.s32 $0xFFFFFFFF  }
0xbb: {  	_ =	strace $0x9000004E  }
0xbc: {  	_ =	sfence  }
0xbd: {  	s30 =	sld [smem:$0x0];
	_ =	sdelay $0x2  }
0xbe: {  	s31 =	sshll.u32 s1, $0xD;
	s1 =	sshrl.u32 s1, $0x2  }
0xbf: {  	s3 =	sand.u32 $0x4000, s31;
	s1 =	sadd.s32 s1, s30  }
0xc0: {  	s0 =	sor.u32 s3, s0;
	s1 =	sshll.u32 s1, $0x11  }
0xc1: {  	s0 =	sor.u32 s1, s0  }
0xc2: {  	s0 =	sadd.s32 $0x8F2B, s0  }
0xc3: {  	[sflag:s0] =	ssyncadd.remote.s32 $0x1  }
0xc4: {  	_ =	sfence.sel $0xFFFF  }
0xc5: {  	[dreg:$0x0] =	wrdreg $0xFFFFFFFF;
	(pc) =	sbr.abs _section_cstart, $3  }
0xc6: {  	[dreg:$0x1] =	wrdreg $0xFFFFFFFF  }
0xc7: {  	_ =	task.clear_ibuf [dreg:s7], $0x2FFFF;
	_ =	strace $0x9FFFFFFF  }
0xc8: {  	(tm) =	ssettm $0x7FFFFFFF  }
0xc9: {  	_ =	shalt  }
tec
execute0_lowered:
.L_overlay_start_1:
0x0: {  	(tag) =	ssettag $0x1  }
0x1: {  	s0 =	srdreg.scid;
	s1 =	rddreg [dreg:$0x0]  }
0x2: {  	s2 =	stileid.u32;
	s4 =	rddreg [dreg:$0x1];
	s12 =	simm.s32 $0x2  }
0x3: {  	s13 =	simm.s32 $0x3;
	s14 =	simm.s32 $0x4;
	s10 =	simm.s32 $0x100  }
0x4: {  	s16 =	simm.s32 $0x900;
	s17 =	simm.s32 $0x1100;
	s18 =	simm.s32 $0x1900  }
0x5: {  	s19 =	simm.s32 $0x2100;
	s20 =	simm.s32 $0x2900;
	s21 =	simm.s32 $0x3100  }
0x6: {  	s22 =	simm.s32 $0x3900;
	s28 =	simm.s32 $0x6100;
	s29 =	simm.s32 $0x6900  }
0x7: {  	s30 =	simm.s32 $0x7100;
	s31 =	simm.s32 $0x7900;
	s11 =	simm.s32 $0x9100  }
0x8: {  	s0 =	sand.u32 $0x1, s0;
	s3 =	sshll.u32 s2, $0x6;
	s2 =	simm.s32 $0x0  }
0x9: {  	s9 =	simm.s32 $0xA100;
	s5 =	sshll.u32 s0, $0x5;
	[smem:$0x7FF] =	sst s2  }
0xa: {  	s0 =	ssub.s32 $0x2, s0;
	s5 =	sor.u32 s5, s3;
	_ =	strace $0x8000004D  }
0xb: {  	s3 =	sadd.s32 $0x140400, s1;
	s25 =	sshrl.u32 s0, $0x1;
	s6 =	smul.u32 $0x300, s5  }
0xc: {  	s7 =	smul.u32 $0x1800, s5;
	s5 =	sadd.s32 s5, s1;
	s0 =	ssub.s32 s0, s25  }
0xd: {  	s25 =	simm.s32 $0x5100;
	s5 =	sadd.s32 $0x20000, s5;
	s8 =	sadd.s32 s4, s6  }
0xe: {  	s23 =	sshrl.u32 s7, $0x3;
	[dreg:$0x3] =	wrdreg s5;
	s5 =	sadd.s32 $0x140500, s1  }
0xf: {  	s6 =	sadd.s32 $0x140600, s1;
	s7 =	smax.u32 s0, $0x1;
	s1 =	simm.s32 $0xC100  }
0x10: {  	[dreg:$0x7] =	wrdreg s8;
	s24 =	sadd.s32 $0x1800, s8;
	s4 =	sadd.s32 s4, s23  }
0x11: {  	v2 =	vlaneseq.u32;
	s23 =	simm.s32 $0x4100;
	[dreg:$0x4] =	wrdreg s24;
	s26 =	sadd.s32 $0x3000, s4  }
0x12: {  	vm0 =	vmmov $0xffff;
	v1 =	vshrl.u32 v2, $0x3;
	s8 =	simm.s32 $0x9900;
	s4 =	sadd.s32 $0x4800, s4;
	[dreg:$0x5] =	wrdreg s26  }
0x13: {  	v0 =	vand.u32 $0x7, v2;
	v2 =	vor.u32 $0x8, v2;
	v1 =	vmul.u32 $0x8, v1;
	s24 =	simm.s32 $0x4900;
	[dreg:$0x6] =	wrdreg s4;
	s26 =	simm.s32 $0x5900  }
.LBB2_1:
0x14: {  	s15 =	rddreg [dreg:$0x3];
	s0 =	simm.s32 $0x5  }
0x15: {  	[tilespmem:s2], [sflag:$0x5] =	stream.linear.gather [hbm4b:s15+s2], $0x100, $0x38;
	[tilespmem:$0x18100] =	vst v63  }
0x16: {  	_ =	swait.ge [sflag:s0], $0x100  }
0x17: {  	[sflag:s0] =	ssyncset.done $0x0  }
0x18: {  	[sflag:s0] =	ssyncadd.s32 $0xFFFFFF00  }
0x19: {  	v3 =	vld [tilespmem:$0x0];
	_ =	sdelay $0x4  }
0x1a: {  	v4 =	vshrl.u32 v3, $0x3  }
0x1b: {  	v4 =	vmul.u32 $0x30, v4  }
0x1c: {  	v3 =	vand.u32 $0x7, v3  }
0x1d: {  	v3 =	vor.u32 v3, v4  }
0x1e: {  	v4 =	vperm.xlane v3, v0;
	_ =	sdelay $0x1  }
0x1f: {  	v4 =	vadd.s32 v1, v4;
	_ =	sdelay $0x3  }
0x20: {  	v3 =	vperm.xlane v3, v2  }
0x21: {  	[tilespmem:s10], [sflag:$0x1] =	stream.indirect_vreg.gather [hbm4b:s3+s2], $0x80, v4, vm0, $0xb8;
	[tilespmem:$0x18100] =	vst v63  }
0x22: {  	v3 =	vadd.s32 v1, v3  }
0x23: {  	[tilespmem:s16], [sflag:$0x1] =	stream.indirect_vreg.gather [hbm4b:s5+s2], $0x80, v4, vm0, $0xb8;
	[tilespmem:$0x18100] =	vst v63  }
0x24: {  	_ = 	snop  }
0x25: {  	[tilespmem:s17], [sflag:$0x1] =	stream.indirect_vreg.gather [hbm4b:s6+s2], $0x80, v4, vm0, $0xb8;
	[tilespmem:$0x18100] =	vst v63  }
0x26: {  	_ = 	snop  }
0x27: {  	[tilespmem:s18], [sflag:$0x1] =	stream.indirect_vreg.gather [hbm4b:s3+s2], $0x80, v3, vm0, $0xb8;
	[tilespmem:$0x18100] =	vst v63  }
0x28: {  	_ = 	snop  }
0x29: {  	[tilespmem:s19], [sflag:$0x1] =	stream.indirect_vreg.gather [hbm4b:s5+s2], $0x80, v3, vm0, $0xb8;
	[tilespmem:$0x18100] =	vst v63  }
0x2a: {  	_ = 	snop  }
0x2b: {  	[tilespmem:s20], [sflag:$0x1] =	stream.indirect_vreg.gather [hbm4b:s6+s2], $0x80, v3, vm0, $0xb8;
	[tilespmem:$0x18100] =	vst v63  }
0x2c: {  	v3 =	vld [tilespmem:$0x10];
	_ =	sdelay $0x4  }
0x2d: {  	v49 =	vshrl.u32 v3, $0x3  }
0x2e: {  	v4 =	vmul.u32 $0x30, v49  }
0x2f: {  	v3 =	vand.u32 $0x7, v3  }
0x30: {  	v3 =	vor.u32 v3, v4  }
0x31: {  	v4 =	vperm.xlane v3, v0;
	_ =	sdelay $0x1  }
0x32: {  	v4 =	vadd.s32 v1, v4;
	_ =	sdelay $0x3  }
0x33: {  	v3 =	vperm.xlane v3, v2  }
0x34: {  	[tilespmem:s21], [sflag:$0x1] =	stream.indirect_vreg.gather [hbm4b:s3+s2], $0x80, v4, vm0, $0xb8;
	[tilespmem:$0x18100] =	vst v63  }
0x35: {  	v3 =	vadd.s32 v1, v3  }
0x36: {  	[tilespmem:s22], [sflag:$0x1] =	stream.indirect_vreg.gather [hbm4b:s5+s2], $0x80, v4, vm0, $0xb8;
	[tilespmem:$0x18100] =	vst v63  }
0x37: {  	_ = 	snop  }
0x38: {  	[tilespmem:s23], [sflag:$0x1] =	stream.indirect_vreg.gather [hbm4b:s6+s2], $0x80, v4, vm0, $0xb8;
	[tilespmem:$0x18100] =	vst v63  }
0x39: {  	_ = 	snop  }
0x3a: {  	[tilespmem:s24], [sflag:$0x1] =	stream.indirect_vreg.gather [hbm4b:s3+s2], $0x80, v3, vm0, $0xb8;
	[tilespmem:$0x18100] =	vst v63  }
0x3b: {  	_ = 	snop  }
0x3c: {  	[tilespmem:s25], [sflag:$0x1] =	stream.indirect_vreg.gather [hbm4b:s5+s2], $0x80, v3, vm0, $0xb8;
	[tilespmem:$0x18100] =	vst v63  }
0x3d: {  	_ = 	snop  }
0x3e: {  	[tilespmem:s26], [sflag:$0x1] =	stream.indirect_vreg.gather [hbm4b:s6+s2], $0x80, v3, vm0, $0xb8;
	[tilespmem:$0x18100] =	vst v63  }
0x3f: {  	v3 =	vld [tilespmem:$0x20];
	_ =	sdelay $0x4  }
0x40: {  	v50 =	vshrl.u32 v3, $0x3  }
0x41: {  	v4 =	vmul.u32 $0x30, v50  }
0x42: {  	v3 =	vand.u32 $0x7, v3  }
0x43: {  	v3 =	vor.u32 v3, v4  }
0x44: {  	v4 =	vperm.xlane v3, v0;
	_ =	sdelay $0x1  }
0x45: {  	v4 =	vadd.s32 v1, v4;
	_ =	sdelay $0x3  }
0x46: {  	v3 =	vperm.xlane v3, v2  }
0x47: {  	[tilespmem:s28], [sflag:$0x1] =	stream.indirect_vreg.gather [hbm4b:s3+s2], $0x80, v4, vm0, $0xb8;
	[tilespmem:$0x18100] =	vst v63  }
0x48: {  	v3 =	vadd.s32 v1, v3  }
0x49: {  	[tilespmem:s29], [sflag:$0x1] =	stream.indirect_vreg.gather [hbm4b:s5+s2], $0x80, v4, vm0, $0xb8;
	[tilespmem:$0x18100] =	vst v63  }
0x4a: {  	_ = 	snop  }
0x4b: {  	[tilespmem:s30], [sflag:$0x1] =	stream.indirect_vreg.gather [hbm4b:s6+s2], $0x80, v4, vm0, $0xb8;
	[tilespmem:$0x18100] =	vst v63  }
0x4c: {  	_ = 	snop  }
0x4d: {  	[tilespmem:s31], [sflag:$0x1] =	stream.indirect_vreg.gather [hbm4b:s3+s2], $0x80, v3, vm0, $0xb8;
	[tilespmem:$0x18100] =	vst v63  }
0x4e: {  	s15 =	simm.s32 $0x8100  }
0x4f: {  	[tilespmem:s15], [sflag:$0x1] =	stream.indirect_vreg.gather [hbm4b:s5+s2], $0x80, v3, vm0, $0xb8;
	[tilespmem:$0x18100] =	vst v63  }
0x50: {  	s4 =	simm.s32 $0x8900  }
0x51: {  	[tilespmem:s4], [sflag:$0x1] =	stream.indirect_vreg.gather [hbm4b:s6+s2], $0x80, v3, vm0, $0xb8;
	[tilespmem:$0x18100] =	vst v63  }
0x52: {  	v3 =	vld [tilespmem:$0x30];
	_ =	sdelay $0x4  }
0x53: {  	v51 =	vshrl.u32 v3, $0x3  }
0x54: {  	v4 =	vmul.u32 $0x30, v51  }
0x55: {  	v3 =	vand.u32 $0x7, v3  }
0x56: {  	v3 =	vor.u32 v3, v4  }
0x57: {  	v4 =	vperm.xlane v3, v0;
	_ =	sdelay $0x1  }
0x58: {  	v4 =	vadd.s32 v1, v4;
	_ =	sdelay $0x3  }
0x59: {  	v3 =	vperm.xlane v3, v2  }
0x5a: {  	[tilespmem:s11], [sflag:$0x1] =	stream.indirect_vreg.gather [hbm4b:s3+s2], $0x80, v4, vm0, $0xb8;
	[tilespmem:$0x18100] =	vst v63  }
0x5b: {  	v3 =	vadd.s32 v1, v3  }
0x5c: {  	[tilespmem:s8], [sflag:$0x1] =	stream.indirect_vreg.gather [hbm4b:s5+s2], $0x80, v4, vm0, $0xb8;
	[tilespmem:$0x18100] =	vst v63  }
0x5d: {  	_ = 	snop  }
0x5e: {  	[tilespmem:s9], [sflag:$0x1] =	stream.indirect_vreg.gather [hbm4b:s6+s2], $0x80, v4, vm0, $0xb8;
	[tilespmem:$0x18100] =	vst v63  }
0x5f: {  	s4 =	simm.s32 $0xA900  }
0x60: {  	[tilespmem:s4], [sflag:$0x1] =	stream.indirect_vreg.gather [hbm4b:s3+s2], $0x80, v3, vm0, $0xb8;
	[tilespmem:$0x18100] =	vst v63  }
0x61: {  	s15 =	simm.s32 $0xB100  }
0x62: {  	[tilespmem:s15], [sflag:$0x1] =	stream.indirect_vreg.gather [hbm4b:s5+s2], $0x80, v3, vm0, $0xb8;
	[tilespmem:$0x18100] =	vst v63  }
0x63: {  	s0 =	simm.s32 $0x1;
	s15 =	simm.s32 $0xB900  }
0x64: {  	[tilespmem:s15], [sflag:$0x1] =	stream.indirect_vreg.gather [hbm4b:s6+s2], $0x80, v3, vm0, $0xb8;
	[tilespmem:$0x18100] =	vst v63  }
0x65: {  	_ =	swait.ge [sflag:s0], $0xC000  }
0x66: {  	[sflag:s0] =	ssyncset.done $0x0  }
0x67: {  	s15 =	rddreg [dreg:$0x7];
	[sflag:s0] =	ssyncadd.s32 $0xFFFF4000  }
0x68: {  	[hbm4b:s15+s2] =	stream.linear.scatter [tilespmem:s10], [sflag:$0x3], $0xC000, $0x38;
	[tilespmem:$0x18100] =	vst v63  }
0x69: {  	v3 =	vld [tilespmem:$0x40];
	_ =	sdelay $0x4  }
0x6a: {  	v52 =	vshrl.u32 v3, $0x3  }
0x6b: {  	v4 =	vmul.u32 $0x30, v52  }
0x6c: {  	v3 =	vand.u32 $0x7, v3  }
0x6d: {  	v3 =	vor.u32 v3, v4  }
0x6e: {  	v4 =	vperm.xlane v3, v0;
	_ =	sdelay $0x1  }
0x6f: {  	v4 =	vadd.s32 v1, v4;
	_ =	sdelay $0x3  }
0x70: {  	v3 =	vperm.xlane v3, v2  }
0x71: {  	[tilespmem:s1], [sflag:$0x2] =	stream.indirect_vreg.gather [hbm4b:s3+s2], $0x80, v4, vm0, $0xb8;
	[tilespmem:$0x18100] =	vst v63  }
0x72: {  	s15 =	simm.s32 $0xC900;
	v3 =	vadd.s32 v1, v3  }
0x73: {  	[tilespmem:s15], [sflag:$0x2] =	stream.indirect_vreg.gather [hbm4b:s5+s2], $0x80, v4, vm0, $0xb8;
	[tilespmem:$0x18100] =	vst v63  }
0x74: {  	s15 =	simm.s32 $0xD100  }
0x75: {  	[tilespmem:s15], [sflag:$0x2] =	stream.indirect_vreg.gather [hbm4b:s6+s2], $0x80, v4, vm0, $0xb8;
	[tilespmem:$0x18100] =	vst v63  }
0x76: {  	s15 =	simm.s32 $0xD900  }
0x77: {  	[tilespmem:s15], [sflag:$0x2] =	stream.indirect_vreg.gather [hbm4b:s3+s2], $0x80, v3, vm0, $0xb8;
	[tilespmem:$0x18100] =	vst v63  }
0x78: {  	s15 =	simm.s32 $0xE100  }
0x79: {  	[tilespmem:s15], [sflag:$0x2] =	stream.indirect_vreg.gather [hbm4b:s5+s2], $0x80, v3, vm0, $0xb8;
	[tilespmem:$0x18100] =	vst v63  }
0x7a: {  	s15 =	simm.s32 $0xE900  }
0x7b: {  	[tilespmem:s15], [sflag:$0x2] =	stream.indirect_vreg.gather [hbm4b:s6+s2], $0x80, v3, vm0, $0xb8;
	[tilespmem:$0x18100] =	vst v63  }
0x7c: {  	v3 =	vld [tilespmem:$0x50];
	_ =	sdelay $0x4  }
0x7d: {  	v53 =	vshrl.u32 v3, $0x3  }
0x7e: {  	v4 =	vmul.u32 $0x30, v53  }
0x7f: {  	v3 =	vand.u32 $0x7, v3  }
0x80: {  	v3 =	vor.u32 v3, v4  }
0x81: {  	v4 =	vperm.xlane v3, v0;
	_ =	sdelay $0x1  }
0x82: {  	v4 =	vadd.s32 v1, v4;
	_ =	sdelay $0x3  }
0x83: {  	s15 =	simm.s32 $0xF100;
	v3 =	vperm.xlane v3, v2  }
0x84: {  	[tilespmem:s15], [sflag:$0x2] =	stream.indirect_vreg.gather [hbm4b:s3+s2], $0x80, v4, vm0, $0xb8;
	[tilespmem:$0x18100] =	vst v63  }
0x85: {  	v3 =	vadd.s32 v1, v3;
	s15 =	simm.s32 $0xF900  }
0x86: {  	[tilespmem:s15], [sflag:$0x2] =	stream.indirect_vreg.gather [hbm4b:s5+s2], $0x80, v4, vm0, $0xb8;
	[tilespmem:$0x18100] =	vst v63  }
0x87: {  	s15 =	simm.s32 $0x10100  }
0x88: {  	[tilespmem:s15], [sflag:$0x2] =	stream.indirect_vreg.gather [hbm4b:s6+s2], $0x80, v4, vm0, $0xb8;
	[tilespmem:$0x18100] =	vst v63  }
0x89: {  	s15 =	simm.s32 $0x10900  }
0x8a: {  	[tilespmem:s15], [sflag:$0x2] =	stream.indirect_vreg.gather [hbm4b:s3+s2], $0x80, v3, vm0, $0xb8;
	[tilespmem:$0x18100] =	vst v63  }
0x8b: {  	s15 =	simm.s32 $0x11100  }
0x8c: {  	[tilespmem:s15], [sflag:$0x2] =	stream.indirect_vreg.gather [hbm4b:s5+s2], $0x80, v3, vm0, $0xb8;
	[tilespmem:$0x18100] =	vst v63  }
0x8d: {  	s15 =	simm.s32 $0x11900  }
0x8e: {  	[tilespmem:s15], [sflag:$0x2] =	stream.indirect_vreg.gather [hbm4b:s6+s2], $0x80, v3, vm0, $0xb8;
	[tilespmem:$0x18100] =	vst v63  }
0x8f: {  	v3 =	vld [tilespmem:$0x60];
	_ =	sdelay $0x4  }
0x90: {  	v54 =	vshrl.u32 v3, $0x3  }
0x91: {  	v4 =	vmul.u32 $0x30, v54  }
0x92: {  	v3 =	vand.u32 $0x7, v3  }
0x93: {  	v3 =	vor.u32 v3, v4  }
0x94: {  	v4 =	vperm.xlane v3, v0;
	_ =	sdelay $0x1  }
0x95: {  	v4 =	vadd.s32 v1, v4;
	_ =	sdelay $0x3  }
0x96: {  	s15 =	simm.s32 $0x12100;
	v3 =	vperm.xlane v3, v2  }
0x97: {  	[tilespmem:s15], [sflag:$0x2] =	stream.indirect_vreg.gather [hbm4b:s3+s2], $0x80, v4, vm0, $0xb8;
	[tilespmem:$0x18100] =	vst v63  }
0x98: {  	v3 =	vadd.s32 v1, v3;
	s15 =	simm.s32 $0x12900  }
0x99: {  	[tilespmem:s15], [sflag:$0x2] =	stream.indirect_vreg.gather [hbm4b:s5+s2], $0x80, v4, vm0, $0xb8;
	[tilespmem:$0x18100] =	vst v63  }
0x9a: {  	s15 =	simm.s32 $0x13100  }
0x9b: {  	[tilespmem:s15], [sflag:$0x2] =	stream.indirect_vreg.gather [hbm4b:s6+s2], $0x80, v4, vm0, $0xb8;
	[tilespmem:$0x18100] =	vst v63  }
0x9c: {  	s15 =	simm.s32 $0x13900  }
0x9d: {  	[tilespmem:s15], [sflag:$0x2] =	stream.indirect_vreg.gather [hbm4b:s3+s2], $0x80, v3, vm0, $0xb8;
	[tilespmem:$0x18100] =	vst v63  }
0x9e: {  	s15 =	simm.s32 $0x14100  }
0x9f: {  	[tilespmem:s15], [sflag:$0x2] =	stream.indirect_vreg.gather [hbm4b:s5+s2], $0x80, v3, vm0, $0xb8;
	[tilespmem:$0x18100] =	vst v63  }
0xa0: {  	s15 =	simm.s32 $0x14900  }
0xa1: {  	[tilespmem:s15], [sflag:$0x2] =	stream.indirect_vreg.gather [hbm4b:s6+s2], $0x80, v3, vm0, $0xb8;
	[tilespmem:$0x18100] =	vst v63  }
0xa2: {  	v3 =	vld [tilespmem:$0x70];
	_ =	sdelay $0x4  }
0xa3: {  	v55 =	vshrl.u32 v3, $0x3  }
0xa4: {  	v4 =	vmul.u32 $0x30, v55  }
0xa5: {  	v3 =	vand.u32 $0x7, v3  }
0xa6: {  	v3 =	vor.u32 v3, v4  }
0xa7: {  	v4 =	vperm.xlane v3, v0;
	_ =	sdelay $0x1  }
0xa8: {  	v4 =	vadd.s32 v1, v4;
	_ =	sdelay $0x3  }
0xa9: {  	s15 =	simm.s32 $0x15100;
	v3 =	vperm.xlane v3, v2  }
0xaa: {  	[tilespmem:s15], [sflag:$0x2] =	stream.indirect_vreg.gather [hbm4b:s3+s2], $0x80, v4, vm0, $0xb8;
	[tilespmem:$0x18100] =	vst v63  }
0xab: {  	v3 =	vadd.s32 v1, v3;
	s15 =	simm.s32 $0x15900  }
0xac: {  	[tilespmem:s15], [sflag:$0x2] =	stream.indirect_vreg.gather [hbm4b:s5+s2], $0x80, v4, vm0, $0xb8;
	[tilespmem:$0x18100] =	vst v63  }
0xad: {  	s15 =	simm.s32 $0x16100  }
0xae: {  	[tilespmem:s15], [sflag:$0x2] =	stream.indirect_vreg.gather [hbm4b:s6+s2], $0x80, v4, vm0, $0xb8;
	[tilespmem:$0x18100] =	vst v63  }
0xaf: {  	s15 =	simm.s32 $0x16900  }
0xb0: {  	[tilespmem:s15], [sflag:$0x2] =	stream.indirect_vreg.gather [hbm4b:s3+s2], $0x80, v3, vm0, $0xb8;
	[tilespmem:$0x18100] =	vst v63  }
0xb1: {  	s15 =	simm.s32 $0x17100  }
0xb2: {  	[tilespmem:s15], [sflag:$0x2] =	stream.indirect_vreg.gather [hbm4b:s5+s2], $0x80, v3, vm0, $0xb8;
	[tilespmem:$0x18100] =	vst v63  }
0xb3: {  	s15 =	simm.s32 $0x17900  }
0xb4: {  	[tilespmem:s15], [sflag:$0x2] =	stream.indirect_vreg.gather [hbm4b:s6+s2], $0x80, v3, vm0, $0xb8;
	[tilespmem:$0x18100] =	vst v63  }
0xb5: {  	_ =	swait.ge [sflag:s12], $0xC000  }
0xb6: {  	[sflag:s12] =	ssyncset.done $0x0  }
0xb7: {  	[sflag:s12] =	ssyncadd.s32 $0xFFFF4000  }
0xb8: {  	_ =	swait.ge [sflag:s13], $0xC000  }
0xb9: {  	[sflag:s13] =	ssyncset.done $0x0  }
0xba: {  	s15 =	rddreg [dreg:$0x4];
	[sflag:s13] =	ssyncadd.s32 $0xFFFF4000  }
0xbb: {  	[hbm4b:s15+s2] =	stream.linear.scatter [tilespmem:s1], [sflag:$0x4], $0xC000, $0x38;
	[tilespmem:$0x18100] =	vst v63  }
0xbc: {  	v3 =	vld [tilespmem:$0x80];
	_ =	sdelay $0x4  }
0xbd: {  	v56 =	vshrl.u32 v3, $0x3  }
0xbe: {  	v4 =	vmul.u32 $0x30, v56  }
0xbf: {  	v3 =	vand.u32 $0x7, v3  }
0xc0: {  	v3 =	vor.u32 v3, v4  }
0xc1: {  	v4 =	vperm.xlane v3, v0;
	_ =	sdelay $0x1  }
0xc2: {  	v4 =	vadd.s32 v1, v4;
	_ =	sdelay $0x3  }
0xc3: {  	v3 =	vperm.xlane v3, v2  }
0xc4: {  	[tilespmem:s10], [sflag:$0x1] =	stream.indirect_vreg.gather [hbm4b:s3+s2], $0x80, v4, vm0, $0xb8;
	[tilespmem:$0x18100] =	vst v63  }
0xc5: {  	v3 =	vadd.s32 v1, v3  }
0xc6: {  	[tilespmem:s16], [sflag:$0x1] =	stream.indirect_vreg.gather [hbm4b:s5+s2], $0x80, v4, vm0, $0xb8;
	[tilespmem:$0x18100] =	vst v63  }
0xc7: {  	_ = 	snop  }
0xc8: {  	[tilespmem:s17], [sflag:$0x1] =	stream.indirect_vreg.gather [hbm4b:s6+s2], $0x80, v4, vm0, $0xb8;
	[tilespmem:$0x18100] =	vst v63  }
0xc9: {  	_ = 	snop  }
0xca: {  	[tilespmem:s18], [sflag:$0x1] =	stream.indirect_vreg.gather [hbm4b:s3+s2], $0x80, v3, vm0, $0xb8;
	[tilespmem:$0x18100] =	vst v63  }
0xcb: {  	_ = 	snop  }
0xcc: {  	[tilespmem:s19], [sflag:$0x1] =	stream.indirect_vreg.gather [hbm4b:s5+s2], $0x80, v3, vm0, $0xb8;
	[tilespmem:$0x18100] =	vst v63  }
0xcd: {  	_ = 	snop  }
0xce: {  	[tilespmem:s20], [sflag:$0x1] =	stream.indirect_vreg.gather [hbm4b:s6+s2], $0x80, v3, vm0, $0xb8;
	[tilespmem:$0x18100] =	vst v63  }
0xcf: {  	v3 =	vld [tilespmem:$0x90];
	_ =	sdelay $0x4  }
0xd0: {  	v57 =	vshrl.u32 v3, $0x3  }
0xd1: {  	v4 =	vmul.u32 $0x30, v57  }
0xd2: {  	v3 =	vand.u32 $0x7, v3  }
0xd3: {  	v3 =	vor.u32 v3, v4  }
0xd4: {  	v4 =	vperm.xlane v3, v0;
	_ =	sdelay $0x1  }
0xd5: {  	v4 =	vadd.s32 v1, v4;
	_ =	sdelay $0x3  }
0xd6: {  	v3 =	vperm.xlane v3, v2  }
0xd7: {  	[tilespmem:s21], [sflag:$0x1] =	stream.indirect_vreg.gather [hbm4b:s3+s2], $0x80, v4, vm0, $0xb8;
	[tilespmem:$0x18100] =	vst v63  }
0xd8: {  	v3 =	vadd.s32 v1, v3  }
0xd9: {  	[tilespmem:s22], [sflag:$0x1] =	stream.indirect_vreg.gather [hbm4b:s5+s2], $0x80, v4, vm0, $0xb8;
	[tilespmem:$0x18100] =	vst v63  }
0xda: {  	_ = 	snop  }
0xdb: {  	[tilespmem:s23], [sflag:$0x1] =	stream.indirect_vreg.gather [hbm4b:s6+s2], $0x80, v4, vm0, $0xb8;
	[tilespmem:$0x18100] =	vst v63  }
0xdc: {  	_ = 	snop  }
0xdd: {  	[tilespmem:s24], [sflag:$0x1] =	stream.indirect_vreg.gather [hbm4b:s3+s2], $0x80, v3, vm0, $0xb8;
	[tilespmem:$0x18100] =	vst v63  }
0xde: {  	_ = 	snop  }
0xdf: {  	[tilespmem:s25], [sflag:$0x1] =	stream.indirect_vreg.gather [hbm4b:s5+s2], $0x80, v3, vm0, $0xb8;
	[tilespmem:$0x18100] =	vst v63  }
0xe0: {  	_ = 	snop  }
0xe1: {  	[tilespmem:s26], [sflag:$0x1] =	stream.indirect_vreg.gather [hbm4b:s6+s2], $0x80, v3, vm0, $0xb8;
	[tilespmem:$0x18100] =	vst v63  }
0xe2: {  	v3 =	vld [tilespmem:$0xA0];
	_ =	sdelay $0x4  }
0xe3: {  	v58 =	vshrl.u32 v3, $0x3  }
0xe4: {  	v4 =	vmul.u32 $0x30, v58  }
0xe5: {  	v3 =	vand.u32 $0x7, v3  }
0xe6: {  	v3 =	vor.u32 v3, v4  }
0xe7: {  	v4 =	vperm.xlane v3, v0;
	_ =	sdelay $0x1  }
0xe8: {  	v4 =	vadd.s32 v1, v4;
	_ =	sdelay $0x3  }
0xe9: {  	v3 =	vperm.xlane v3, v2  }
0xea: {  	[tilespmem:s28], [sflag:$0x1] =	stream.indirect_vreg.gather [hbm4b:s3+s2], $0x80, v4, vm0, $0xb8;
	[tilespmem:$0x18100] =	vst v63  }
0xeb: {  	v3 =	vadd.s32 v1, v3  }
0xec: {  	[tilespmem:s29], [sflag:$0x1] =	stream.indirect_vreg.gather [hbm4b:s5+s2], $0x80, v4, vm0, $0xb8;
	[tilespmem:$0x18100] =	vst v63  }
0xed: {  	_ = 	snop  }
0xee: {  	[tilespmem:s30], [sflag:$0x1] =	stream.indirect_vreg.gather [hbm4b:s6+s2], $0x80, v4, vm0, $0xb8;
	[tilespmem:$0x18100] =	vst v63  }
0xef: {  	_ = 	snop  }
0xf0: {  	[tilespmem:s31], [sflag:$0x1] =	stream.indirect_vreg.gather [hbm4b:s3+s2], $0x80, v3, vm0, $0xb8;
	[tilespmem:$0x18100] =	vst v63  }
0xf1: {  	s15 =	simm.s32 $0x8100  }
0xf2: {  	[tilespmem:s15], [sflag:$0x1] =	stream.indirect_vreg.gather [hbm4b:s5+s2], $0x80, v3, vm0, $0xb8;
	[tilespmem:$0x18100] =	vst v63  }
0xf3: {  	s15 =	simm.s32 $0x8900  }
0xf4: {  	[tilespmem:s15], [sflag:$0x1] =	stream.indirect_vreg.gather [hbm4b:s6+s2], $0x80, v3, vm0, $0xb8;
	[tilespmem:$0x18100] =	vst v63  }
0xf5: {  	v3 =	vld [tilespmem:$0xB0];
	_ =	sdelay $0x4  }
0xf6: {  	v59 =	vshrl.u32 v3, $0x3  }
0xf7: {  	v4 =	vmul.u32 $0x30, v59  }
0xf8: {  	v3 =	vand.u32 $0x7, v3  }
0xf9: {  	v3 =	vor.u32 v3, v4  }
0xfa: {  	v4 =	vperm.xlane v3, v0;
	_ =	sdelay $0x1  }
0xfb: {  	v4 =	vadd.s32 v1, v4;
	_ =	sdelay $0x3  }
0xfc: {  	v3 =	vperm.xlane v3, v2  }
0xfd: {  	[tilespmem:s11], [sflag:$0x1] =	stream.indirect_vreg.gather [hbm4b:s3+s2], $0x80, v4, vm0, $0xb8;
	[tilespmem:$0x18100] =	vst v63  }
0xfe: {  	v3 =	vadd.s32 v1, v3  }
0xff: {  	[tilespmem:s8], [sflag:$0x1] =	stream.indirect_vreg.gather [hbm4b:s5+s2], $0x80, v4, vm0, $0xb8;
	[tilespmem:$0x18100] =	vst v63  }
0x100: {  	_ = 	snop  }
0x101: {  	[tilespmem:s9], [sflag:$0x1] =	stream.indirect_vreg.gather [hbm4b:s6+s2], $0x80, v4, vm0, $0xb8;
	[tilespmem:$0x18100] =	vst v63  }
0x102: {  	_ = 	snop  }
0x103: {  	[tilespmem:s4], [sflag:$0x1] =	stream.indirect_vreg.gather [hbm4b:s3+s2], $0x80, v3, vm0, $0xb8;
	[tilespmem:$0x18100] =	vst v63  }
0x104: {  	s15 =	simm.s32 $0xB100  }
0x105: {  	[tilespmem:s15], [sflag:$0x1] =	stream.indirect_vreg.gather [hbm4b:s5+s2], $0x80, v3, vm0, $0xb8;
	[tilespmem:$0x18100] =	vst v63  }
0x106: {  	s15 =	simm.s32 $0xB900  }
0x107: {  	[tilespmem:s15], [sflag:$0x1] =	stream.indirect_vreg.gather [hbm4b:s6+s2], $0x80, v3, vm0, $0xb8;
	[tilespmem:$0x18100] =	vst v63  }
0x108: {  	_ =	swait.ge [sflag:s0], $0xC000  }
0x109: {  	[sflag:s0] =	ssyncset.done $0x0  }
0x10a: {  	[sflag:s0] =	ssyncadd.s32 $0xFFFF4000  }
0x10b: {  	_ =	swait.ge [sflag:s14], $0xC000  }
0x10c: {  	[sflag:s14] =	ssyncset.done $0x0  }
0x10d: {  	s4 =	rddreg [dreg:$0x5];
	[sflag:s14] =	ssyncadd.s32 $0xFFFF4000  }
0x10e: {  	[hbm4b:s4+s2] =	stream.linear.scatter [tilespmem:s10], [sflag:$0x3], $0xC000, $0x38;
	[tilespmem:$0x18100] =	vst v63  }
0x10f: {  	v3 =	vld [tilespmem:$0xC0];
	_ =	sdelay $0x4  }
0x110: {  	v60 =	vshrl.u32 v3, $0x3  }
0x111: {  	v4 =	vmul.u32 $0x30, v60  }
0x112: {  	v3 =	vand.u32 $0x7, v3  }
0x113: {  	v3 =	vor.u32 v3, v4  }
0x114: {  	v4 =	vperm.xlane v3, v0;
	_ =	sdelay $0x1  }
0x115: {  	v4 =	vadd.s32 v1, v4;
	_ =	sdelay $0x3  }
0x116: {  	v3 =	vperm.xlane v3, v2  }
0x117: {  	[tilespmem:s1], [sflag:$0x2] =	stream.indirect_vreg.gather [hbm4b:s3+s2], $0x80, v4, vm0, $0xb8;
	[tilespmem:$0x18100] =	vst v63  }
0x118: {  	s15 =	simm.s32 $0xC900;
	v3 =	vadd.s32 v1, v3  }
0x119: {  	[tilespmem:s15], [sflag:$0x2] =	stream.indirect_vreg.gather [hbm4b:s5+s2], $0x80, v4, vm0, $0xb8;
	[tilespmem:$0x18100] =	vst v63  }
0x11a: {  	s4 =	simm.s32 $0xD100  }
0x11b: {  	[tilespmem:s4], [sflag:$0x2] =	stream.indirect_vreg.gather [hbm4b:s6+s2], $0x80, v4, vm0, $0xb8;
	[tilespmem:$0x18100] =	vst v63  }
0x11c: {  	s15 =	simm.s32 $0xD900  }
0x11d: {  	[tilespmem:s15], [sflag:$0x2] =	stream.indirect_vreg.gather [hbm4b:s3+s2], $0x80, v3, vm0, $0xb8;
	[tilespmem:$0x18100] =	vst v63  }
0x11e: {  	s4 =	simm.s32 $0xE100  }
0x11f: {  	[tilespmem:s4], [sflag:$0x2] =	stream.indirect_vreg.gather [hbm4b:s5+s2], $0x80, v3, vm0, $0xb8;
	[tilespmem:$0x18100] =	vst v63  }
0x120: {  	s15 =	simm.s32 $0xE900  }
0x121: {  	[tilespmem:s15], [sflag:$0x2] =	stream.indirect_vreg.gather [hbm4b:s6+s2], $0x80, v3, vm0, $0xb8;
	[tilespmem:$0x18100] =	vst v63  }
0x122: {  	v3 =	vld [tilespmem:$0xD0];
	_ =	sdelay $0x4  }
0x123: {  	v61 =	vshrl.u32 v3, $0x3  }
0x124: {  	v4 =	vmul.u32 $0x30, v61  }
0x125: {  	v3 =	vand.u32 $0x7, v3  }
0x126: {  	v3 =	vor.u32 v3, v4  }
0x127: {  	v4 =	vperm.xlane v3, v0;
	_ =	sdelay $0x1  }
0x128: {  	v4 =	vadd.s32 v1, v4;
	_ =	sdelay $0x3  }
0x129: {  	s4 =	simm.s32 $0xF100;
	v3 =	vperm.xlane v3, v2  }
0x12a: {  	[tilespmem:s4], [sflag:$0x2] =	stream.indirect_vreg.gather [hbm4b:s3+s2], $0x80, v4, vm0, $0xb8;
	[tilespmem:$0x18100] =	vst v63  }
0x12b: {  	s15 =	simm.s32 $0xF900;
	v3 =	vadd.s32 v1, v3  }
0x12c: {  	[tilespmem:s15], [sflag:$0x2] =	stream.indirect_vreg.gather [hbm4b:s5+s2], $0x80, v4, vm0, $0xb8;
	[tilespmem:$0x18100] =	vst v63  }
0x12d: {  	s4 =	simm.s32 $0x10100  }
0x12e: {  	[tilespmem:s4], [sflag:$0x2] =	stream.indirect_vreg.gather [hbm4b:s6+s2], $0x80, v4, vm0, $0xb8;
	[tilespmem:$0x18100] =	vst v63  }
0x12f: {  	s15 =	simm.s32 $0x10900  }
0x130: {  	[tilespmem:s15], [sflag:$0x2] =	stream.indirect_vreg.gather [hbm4b:s3+s2], $0x80, v3, vm0, $0xb8;
	[tilespmem:$0x18100] =	vst v63  }
0x131: {  	s4 =	simm.s32 $0x11100  }
0x132: {  	[tilespmem:s4], [sflag:$0x2] =	stream.indirect_vreg.gather [hbm4b:s5+s2], $0x80, v3, vm0, $0xb8;
	[tilespmem:$0x18100] =	vst v63  }
0x133: {  	s15 =	simm.s32 $0x11900  }
0x134: {  	[tilespmem:s15], [sflag:$0x2] =	stream.indirect_vreg.gather [hbm4b:s6+s2], $0x80, v3, vm0, $0xb8;
	[tilespmem:$0x18100] =	vst v63  }
0x135: {  	v3 =	vld [tilespmem:$0xE0];
	_ =	sdelay $0x4  }
0x136: {  	v62 =	vshrl.u32 v3, $0x3  }
0x137: {  	v4 =	vmul.u32 $0x30, v62  }
0x138: {  	v3 =	vand.u32 $0x7, v3  }
0x139: {  	v3 =	vor.u32 v3, v4  }
0x13a: {  	v4 =	vperm.xlane v3, v0;
	_ =	sdelay $0x1  }
0x13b: {  	v4 =	vadd.s32 v1, v4;
	_ =	sdelay $0x3  }
0x13c: {  	s4 =	simm.s32 $0x12100;
	v3 =	vperm.xlane v3, v2  }
0x13d: {  	[tilespmem:s4], [sflag:$0x2] =	stream.indirect_vreg.gather [hbm4b:s3+s2], $0x80, v4, vm0, $0xb8;
	[tilespmem:$0x18100] =	vst v63  }
0x13e: {  	s15 =	simm.s32 $0x12900;
	v3 =	vadd.s32 v1, v3  }
0x13f: {  	[tilespmem:s15], [sflag:$0x2] =	stream.indirect_vreg.gather [hbm4b:s5+s2], $0x80, v4, vm0, $0xb8;
	[tilespmem:$0x18100] =	vst v63  }
0x140: {  	s4 =	simm.s32 $0x13100  }
0x141: {  	[tilespmem:s4], [sflag:$0x2] =	stream.indirect_vreg.gather [hbm4b:s6+s2], $0x80, v4, vm0, $0xb8;
	[tilespmem:$0x18100] =	vst v63  }
0x142: {  	s15 =	simm.s32 $0x13900  }
0x143: {  	[tilespmem:s15], [sflag:$0x2] =	stream.indirect_vreg.gather [hbm4b:s3+s2], $0x80, v3, vm0, $0xb8;
	[tilespmem:$0x18100] =	vst v63  }
0x144: {  	s4 =	simm.s32 $0x14100  }
0x145: {  	[tilespmem:s4], [sflag:$0x2] =	stream.indirect_vreg.gather [hbm4b:s5+s2], $0x80, v3, vm0, $0xb8;
	[tilespmem:$0x18100] =	vst v63  }
0x146: {  	s15 =	simm.s32 $0x14900  }
0x147: {  	[tilespmem:s15], [sflag:$0x2] =	stream.indirect_vreg.gather [hbm4b:s6+s2], $0x80, v3, vm0, $0xb8;
	[tilespmem:$0x18100] =	vst v63  }
0x148: {  	v3 =	vld [tilespmem:$0xF0];
	_ =	sdelay $0x4  }
0x149: {  	v63 =	vshrl.u32 v3, $0x3  }
0x14a: {  	v4 =	vmul.u32 $0x30, v63  }
0x14b: {  	v3 =	vand.u32 $0x7, v3  }
0x14c: {  	v3 =	vor.u32 v3, v4  }
0x14d: {  	v4 =	vperm.xlane v3, v0;
	_ =	sdelay $0x1  }
0x14e: {  	v4 =	vadd.s32 v1, v4;
	_ =	sdelay $0x3  }
0x14f: {  	s4 =	simm.s32 $0x15100;
	v3 =	vperm.xlane v3, v2  }
0x150: {  	[tilespmem:s4], [sflag:$0x2] =	stream.indirect_vreg.gather [hbm4b:s3+s2], $0x80, v4, vm0, $0xb8;
	[tilespmem:$0x18100] =	vst v63  }
0x151: {  	s15 =	simm.s32 $0x15900;
	v3 =	vadd.s32 v1, v3  }
0x152: {  	[tilespmem:s15], [sflag:$0x2] =	stream.indirect_vreg.gather [hbm4b:s5+s2], $0x80, v4, vm0, $0xb8;
	[tilespmem:$0x18100] =	vst v63  }
0x153: {  	s4 =	simm.s32 $0x16100  }
0x154: {  	[tilespmem:s4], [sflag:$0x2] =	stream.indirect_vreg.gather [hbm4b:s6+s2], $0x80, v4, vm0, $0xb8;
	[tilespmem:$0x18100] =	vst v63  }
0x155: {  	s15 =	simm.s32 $0x16900  }
0x156: {  	[tilespmem:s15], [sflag:$0x2] =	stream.indirect_vreg.gather [hbm4b:s3+s2], $0x80, v3, vm0, $0xb8;
	[tilespmem:$0x18100] =	vst v63  }
0x157: {  	s4 =	simm.s32 $0x17100  }
0x158: {  	[tilespmem:s4], [sflag:$0x2] =	stream.indirect_vreg.gather [hbm4b:s5+s2], $0x80, v3, vm0, $0xb8;
	[tilespmem:$0x18100] =	vst v63  }
0x159: {  	s15 =	simm.s32 $0x17900  }
0x15a: {  	[tilespmem:s15], [sflag:$0x2] =	stream.indirect_vreg.gather [hbm4b:s6+s2], $0x80, v3, vm0, $0xb8;
	[tilespmem:$0x18100] =	vst v63  }
0x15b: {  	_ =	swait.ge [sflag:s12], $0xC000  }
0x15c: {  	[sflag:s12] =	ssyncset.done $0x0  }
0x15d: {  	[sflag:s12] =	ssyncadd.s32 $0xFFFF4000  }
0x15e: {  	_ =	swait.ge [sflag:s13], $0xC000  }
0x15f: {  	p0 =	sne.s32 s7, $0x1;
	[sflag:s13] =	ssyncset.done $0x0  }
.Ltmp0:
0x160: {  	s4 =	rddreg [dreg:$0x6];
	[sflag:s13] =	ssyncadd.s32 $0xFFFF4000;
	(pc) =	sbr.rel @p0 .LBB2_1-.Ltmp0, $4  }
0x161: {  	[hbm4b:s4+s2] =	stream.linear.scatter [tilespmem:s1], [sflag:$0x4], $0xC000, $0x38;
	[tilespmem:$0x18100] =	vst v63  }
0x162: {  	_ =	swait.ge [sflag:s14], $0xC000  }
0x163: {  	[sflag:s14] =	ssyncset.done $0x0  }
0x164: {  	s7 =	sadd.s32 $0xFFFFFFFF, s7;
	[sflag:s14] =	ssyncadd.s32 $0xFFFF4000  }
0x165: {  	_ =	sfence.sel $0x180000  }
0x166: {  	[bflag:$0x0] =	sbarrier.arrive $0xFFFF  }
0x167: {  	_ =	strace $0x9000004D  }
0x168: {  	s0 =	stileid.u32;
	[bflag:$0x2] =	sbarrier.arrive $0xFFFF  }
0x169: {  	p0 =	sne.s32 s0, $0x0;
	s0 =	rddreg [dreg:$0x2]  }
0x16a: {  	s0 =	sadd.s32 @!p0 $0x100000, s0  }
0x16b: {  	[sflag:s0] =	ssyncadd.tile.s32 @!p0 $0x1;
	_ =	shalt  }
.Lfunc_end2:
_tile_overlayer_lowered:
.L_overlay_start_2:
0x16c: {  	(tag) =	ssettag $0x2  }
0x16d: {  	s0 =	rddreg [dreg:$0x0];
	s2 =	stileid.u32  }
0x16e: {  	s1 =	rddreg [dreg:$0x1];
	p0 =	sne.s32 s2, $0x0  }
0x16f: {  	s3 =	rddreg [dreg:$0x2];
	[bflag:$0x3] =	sbarrier.arrive $0xFFFF;
	s2 =	simm.s32 @!p0 $0x1C05  }
0x170: {  	[timem:s3], [sflag:s2] =	dma.local @!p0 [hbm:s0], s1  }
0x171: {  	s0 =	simm.s32 @!p0 $0x5  }
0x172: {  	_ =	swait.ge @!p0 [sflag:s0], s1  }
0x173: {  	s1 =	ssub.s32 @!p0 $0x0, s1;
	[sflag:s0] =	ssyncset.done @!p0 $0x0  }
0x174: {  	[sflag:s0] =	ssyncadd.s32 @!p0 s1  }
0x175: {  	[bflag:$0x3] =	sbarrier.arrive $0xFFFF  }
0x176: {  	_ =	shalt  }

</sc_bundles>
